<compile_context>
chip_gen: v7x
topology: tpu7x:2x2x1
jax: 0.10.2.dev20260603
libtpu: 0.0.44.dev20260713+nightly
codegen_flags: <defaults>
</compile_context>

<pallas_src>
import functools

import jax
import jax.numpy as jnp
from jax import lax
from jax.experimental import pallas as pl
from jax.experimental.pallas import tpu as pltpu
from jax.experimental.pallas import tpu_sc as plsc

N = 100000
H = 128
G = 512
R = 8192
NBLK = 13
NPAD = NBLK * R
NC, NS = 2, 16
NW = NC * NS
CH = NPAD // NW
W = 64
NV = CH // 16
NEG = -1e30


def _k1_body(x_ref, wg1_ref, bg1_ref, wg2_ref, bg2_ref, g_ref, gmax_ref, mscr):
    i = pl.program_id(0)
    x = x_ref[...]
    h = jnp.dot(x, wg1_ref[...], preferred_element_type=jnp.float32) + bg1_ref[...]
    h = h * jax.nn.sigmoid(h)
    g = jnp.dot(h, wg2_ref[...], preferred_element_type=jnp.float32) + bg2_ref[...]
    g_ref[...] = g

    @pl.when(i == NBLK - 1)
    def _():
        rows = i * R + lax.broadcasted_iota(jnp.int32, (R, 1), 0)
        g_ref[...] = jnp.where(rows < N, g, NEG)

    @pl.when(i == 0)
    def _():
        mscr[...] = jnp.full((8, 128), NEG, jnp.float32)

    mscr[...] = jnp.maximum(mscr[...], jnp.max(g_ref[...]))

    @pl.when(i == NBLK - 1)
    def _():
        gmax_ref[...] = mscr[...]


def _k3_body(x_ref, e_ref, b_ref, base_ref, wide_ref, wv_ref, bv_ref,
             parts_ref, out_ref):
    i = pl.program_id(0)

    @pl.when(i == 0)
    def _():
        out_ref[...] = jnp.zeros((G, H), jnp.float32)

    x = x_ref[...]
    v = jnp.dot(x, wv_ref[...], preferred_element_type=jnp.float32) + bv_ref[...]
    v = v * jax.nn.sigmoid(v)
    ids = lax.broadcast_in_dim(b_ref[0], (W, R), (0, 1))
    ev = lax.broadcast_in_dim(e_ref[0], (W, R), (0, 1))
    wide = wide_ref[i]
    base = base_ref[i]
    nwin = jnp.where(wide != 0, G // W, 1)
    iota_s = lax.broadcasted_iota(jnp.int32, (W, R), 0)

    def accumulate(vv):
        def body(k, carry):
            wbase = jnp.where(wide != 0, k * W, base)
            ohe = jnp.where(ids == wbase + iota_s, ev, 0.0)
            out_ref[pl.ds(wbase, W), :] += lax.dot_general(
                ohe, vv, (((1,), (0,)), ((), ())),
                preferred_element_type=jnp.float32)
            return carry
        lax.fori_loop(0, nwin, body, 0)

    @pl.when(i < NBLK - 1)
    def _():
        accumulate(v)

    @pl.when(i == NBLK - 1)
    def _():
        rows = i * R + lax.broadcasted_iota(jnp.int32, (R, 1), 0)
        accumulate(jnp.where(rows < N, v, 0.0))
        den = jnp.sum(parts_ref[...], axis=0)
        out_ref[...] = out_ref[...] / (den[:, None] + 1e-16)


def _sc_softmax_body(g_hbm, b_hbm, gmax_hbm, e_hbm, parts_hbm,
                     g_v, b_v, e_v, den_v, gmax_v, sem0, sem1, sem2):
    wid = lax.axis_index("s") * NC + lax.axis_index("c")
    base = wid * CH
    c0 = pltpu.async_copy(g_hbm.at[pl.ds(base, CH)], g_v, sem0)
    c1 = pltpu.async_copy(b_hbm.at[pl.ds(base, CH)], b_v, sem1)
    c2 = pltpu.async_copy(gmax_hbm.at[0, pl.ds(0, 16)], gmax_v, sem2)
    z = jnp.zeros((16,), jnp.float32)
    for k in range(G // 16):
        den_v[pl.ds(k * 16, 16)] = z
    c0.wait()
    c1.wait()
    c2.wait()
    gm = gmax_v[...]

    def body(j, carry):
        sl = pl.ds(j * 16, 16)
        ev = jnp.exp(g_v[sl] - gm)
        e_v[sl] = ev
        plsc.addupdate_scatter(den_v, [b_v[sl]], ev)
        return carry

    lax.fori_loop(0, NV, body, 0)
    pltpu.sync_copy(e_v, e_hbm.at[pl.ds(base, CH)])
    pltpu.sync_copy(den_v, parts_hbm.at[wid])


@functools.cache
def _sc_softmax():
    return functools.partial(
        pl.kernel,
        mesh=plsc.VectorSubcoreMesh(core_axis_name="c", subcore_axis_name="s"),
        out_type=[
            jax.ShapeDtypeStruct((NPAD,), jnp.float32),
            jax.ShapeDtypeStruct((NW, G), jnp.float32),
        ],
        scratch_types=[
            pltpu.VMEM((CH,), jnp.float32),
            pltpu.VMEM((CH,), jnp.int32),
            pltpu.VMEM((CH,), jnp.float32),
            pltpu.VMEM((G,), jnp.float32),
            pltpu.VMEM((16,), jnp.float32),
            pltpu.SemaphoreType.DMA,
            pltpu.SemaphoreType.DMA,
            pltpu.SemaphoreType.DMA,
        ],
        compiler_params=pltpu.CompilerParams(needs_layout_passes=False),
    )(_sc_softmax_body)


def _gate_pass(x, Wg1, bg1, Wg2, bg2):
    return pl.pallas_call(
        _k1_body,
        grid=(NBLK,),
        in_specs=[
            pl.BlockSpec((R, H), lambda i: (i, 0)),
            pl.BlockSpec((H, H // 2), lambda i: (0, 0)),
            pl.BlockSpec((1, H // 2), lambda i: (0, 0)),
            pl.BlockSpec((H // 2, 1), lambda i: (0, 0)),
            pl.BlockSpec((1, 1), lambda i: (0, 0)),
        ],
        out_specs=[
            pl.BlockSpec((R, 1), lambda i: (i, 0)),
            pl.BlockSpec((8, 128), lambda i: (0, 0)),
        ],
        out_shape=[
            jax.ShapeDtypeStruct((NPAD, 1), jnp.float32),
            jax.ShapeDtypeStruct((8, 128), jnp.float32),
        ],
        scratch_shapes=[pltpu.VMEM((8, 128), jnp.float32)],
        compiler_params=pltpu.CompilerParams(
            dimension_semantics=("arbitrary",)),
    )(x, Wg1.T, bg1.reshape(1, H // 2), Wg2.T, bg2.reshape(1, 1))


def _pool_pass(x, e, batch2d, base, wide, Wv, bv, parts):
    return pl.pallas_call(
        _k3_body,
        grid=(NBLK,),
        in_specs=[
            pl.BlockSpec((R, H), lambda i: (i, 0)),
            pl.BlockSpec((1, 1, R), lambda i: (i, 0, 0)),
            pl.BlockSpec((1, 1, R), lambda i: (i, 0, 0)),
            pl.BlockSpec((NBLK,), lambda i: (0,), memory_space=pltpu.SMEM),
            pl.BlockSpec((NBLK,), lambda i: (0,), memory_space=pltpu.SMEM),
            pl.BlockSpec((H, H), lambda i: (0, 0)),
            pl.BlockSpec((1, H), lambda i: (0, 0)),
            pl.BlockSpec((NW, G), lambda i: (0, 0)),
        ],
        out_specs=pl.BlockSpec((G, H), lambda i: (0, 0)),
        out_shape=jax.ShapeDtypeStruct((G, H), jnp.float32),
        compiler_params=pltpu.CompilerParams(
            dimension_semantics=("arbitrary",)),
    )(x, e, batch2d, base, wide, Wv.T, bv.reshape(1, H), parts)


def kernel(x, batch, Wg1, bg1, Wg2, bg2, Wv, bv):
    batch_i = batch.astype(jnp.int32)
    batch_p = jnp.pad(batch_i, (0, NPAD - N), mode="edge")
    b2 = batch_p.reshape(NBLK, R)
    lo, hi = b2[:, 0], b2[:, -1]
    base = jnp.minimum(lo & -8, G - W)
    wide = (hi - base >= W).astype(jnp.int32)
    g, gmax = _gate_pass(x, Wg1, bg1, Wg2, bg2)
    e, parts = _sc_softmax()(g.reshape(NPAD), batch_p, gmax)
    return _pool_pass(x, e.reshape(NBLK, 1, R), batch_p.reshape(NBLK, 1, R),
                      base, wide, Wv, bv, parts)

# --- scband reference (transcript-rebuilt; emitter-appended) ---
"""Pipeline reference for scband-attention-readout-83004537962836 (READ-ONLY COPY).

The authoritative reference and input builder live on the scoring server;
editing this copy changes nothing except your own understanding.
"""

import jax, jax.numpy as jnp
import numpy as np

NUM_GRAPHS = 512
HIDDEN = 128

def silu(x):
    return x * jax.nn.sigmoid(x)

def setup_inputs(seed: int = 0) -> dict:
    key = jax.random.key(seed)
    ks = jax.random.split(key, 8)
    N = 100000
    x = jax.random.normal(ks[0], (N, HIDDEN), dtype=jnp.float32)
    batch = jnp.sort(jax.random.randint(ks[1], (N,), 0, NUM_GRAPHS, dtype=jnp.int64))
    # gate_nn: Linear(128,64) -> SiLU -> Linear(64,1)
    Wg1 = jax.random.normal(ks[2], (HIDDEN // 2, HIDDEN), dtype=jnp.float32) * (1.0 / np.sqrt(HIDDEN))
    bg1 = jnp.zeros((HIDDEN // 2,), dtype=jnp.float32)
    Wg2 = jax.random.normal(ks[3], (1, HIDDEN // 2), dtype=jnp.float32) * (1.0 / np.sqrt(HIDDEN // 2))
    bg2 = jnp.zeros((1,), dtype=jnp.float32)
    # value_nn: Linear(128,128) -> SiLU
    Wv = jax.random.normal(ks[4], (HIDDEN, HIDDEN), dtype=jnp.float32) * (1.0 / np.sqrt(HIDDEN))
    bv = jnp.zeros((HIDDEN,), dtype=jnp.float32)
    return {"x": x, "batch": batch, "Wg1": Wg1, "bg1": bg1, "Wg2": Wg2, "bg2": bg2, "Wv": Wv, "bv": bv}

def reference(x, batch, Wg1, bg1, Wg2, bg2, Wv, bv):
    # gate_nn
    g = silu(x @ Wg1.T + bg1) @ Wg2.T + bg2  # [N, 1]
    # segment softmax over nodes within each graph
    seg_max = jax.ops.segment_max(g, batch, num_segments=NUM_GRAPHS)  # [G, 1]
    seg_max = jax.lax.stop_gradient(seg_max)
    g = jnp.exp(g - seg_max[batch])
    denom = jax.ops.segment_sum(g, batch, num_segments=NUM_GRAPHS)  # [G, 1]
    gates = g / (denom[batch] + 1e-16)  # [N, 1]
    # value_nn
    v = silu(x @ Wv.T + bv)  # [N, H]
    # global add pool of gated values
    out = jax.ops.segment_sum(gates * v, batch, num_segments=NUM_GRAPHS)  # [G, H]
    return out

if __name__ == "__main__":
    import jax
    _d = setup_inputs()
    print(jax.jit(kernel)(*tuple(_d.values())))

</pallas_src>

<mosaic_0001>
#map = affine_map<(d0, d1) -> (0)>
#map1 = affine_map<(d0, d1) -> (0, 0)>
module attributes {stable_mosaic.version = 14 : i64} {
  func.func @_sc_softmax_body(%arg0: i32, %arg1: i32, %arg2: memref<106496xf32, #tpu.memory_space<hbm>>, %arg3: memref<106496xi32, #tpu.memory_space<hbm>>, %arg4: memref<8x128xf32, #tpu.memory_space<hbm>>, %arg5: memref<106496xf32, #tpu.memory_space<hbm>>, %arg6: memref<32x512xf32, #tpu.memory_space<hbm>>, %arg7: memref<3328xf32, #tpu.memory_space<vmem>>, %arg8: memref<3328xi32, #tpu.memory_space<vmem>>, %arg9: memref<3328xf32, #tpu.memory_space<vmem>>, %arg10: memref<512xf32, #tpu.memory_space<vmem>>, %arg11: memref<16xf32, #tpu.memory_space<vmem>>, %arg12: memref<!tpu.dma_semaphore, #tpu.memory_space<semaphore_mem>>, %arg13: memref<!tpu.dma_semaphore, #tpu.memory_space<semaphore_mem>>, %arg14: memref<!tpu.dma_semaphore, #tpu.memory_space<semaphore_mem>>) attributes {dimension_semantics = [#tpu.dimension_semantics<core_parallel>, #tpu.dimension_semantics<subcore_parallel>], iteration_bounds = array<i64: 2, 16>, scalar_prefetch = 0 : i64, scratch_operands = 8 : i64, tpu.core_type = #tpu.core_type<sc_vector_subcore>, window_params = [{transform_indices = #map}, {transform_indices = #map}, {transform_indices = #map1}, {transform_indices = #map}, {transform_indices = #map1}]} {
    %mul3A = arith.constant 2 : i32
    %mul3A_0 = arith.muli %arg1, %mul3A : i32
    %add3A = arith.addi %mul3A_0, %arg0 : i32
    %mul3A_1 = arith.constant 3328 : i32
    %mul3A_2 = arith.muli %add3A, %mul3A_1 : i32
    %dma_start3A = tpu.memref_slice %arg2[%mul3A_2] : memref<106496xf32, #tpu.memory_space<hbm>> -> memref<3328xf32, #tpu.memory_space<hbm>>
    %dma_start3A_3 = tpu.memref_slice %arg2[%mul3A_2] : memref<106496xf32, #tpu.memory_space<hbm>> -> memref<3328xf32, #tpu.memory_space<hbm>>
    tpu.enqueue_dma source(%dma_start3A_3 : memref<3328xf32, #tpu.memory_space<hbm>>) target(%arg7 : memref<3328xf32, #tpu.memory_space<vmem>>) target_semaphore(%arg12 : memref<!tpu.dma_semaphore, #tpu.memory_space<semaphore_mem>>)
    %dma_start3A_4 = tpu.memref_slice %arg3[%mul3A_2] : memref<106496xi32, #tpu.memory_space<hbm>> -> memref<3328xi32, #tpu.memory_space<hbm>>
    %dma_start3A_5 = tpu.memref_slice %arg3[%mul3A_2] : memref<106496xi32, #tpu.memory_space<hbm>> -> memref<3328xi32, #tpu.memory_space<hbm>>
    tpu.enqueue_dma source(%dma_start3A_5 : memref<3328xi32, #tpu.memory_space<hbm>>) target(%arg8 : memref<3328xi32, #tpu.memory_space<vmem>>) target_semaphore(%arg13 : memref<!tpu.dma_semaphore, #tpu.memory_space<semaphore_mem>>)
    %dma_start3A_6 = arith.constant 0 : i32
    %dma_start3A_7 = arith.constant 0 : i32
    %dma_start3A_8 = tpu.memref_slice %arg4[%dma_start3A_6, %dma_start3A_7] : memref<8x128xf32, #tpu.memory_space<hbm>> -> memref<1x16xf32, #tpu.memory_space<hbm>>
    %dma_start3A_9 = tpu.memref_squeeze %dma_start3A_8 : memref<1x16xf32, #tpu.memory_space<hbm>> -> memref<16xf32, #tpu.memory_space<hbm>>
    %dma_start3A_10 = arith.constant 0 : i32
    %dma_start3A_11 = tpu.memref_slice %arg4[%dma_start3A_6, %dma_start3A_10] : memref<8x128xf32, #tpu.memory_space<hbm>> -> memref<1x16xf32, #tpu.memory_space<hbm>>
    %dma_start3A_12 = tpu.memref_squeeze %dma_start3A_11 : memref<1x16xf32, #tpu.memory_space<hbm>> -> memref<16xf32, #tpu.memory_space<hbm>>
    tpu.enqueue_dma source(%dma_start3A_12 : memref<16xf32, #tpu.memory_space<hbm>>) target(%arg11 : memref<16xf32, #tpu.memory_space<vmem>>) target_semaphore(%arg14 : memref<!tpu.dma_semaphore, #tpu.memory_space<semaphore_mem>>)
    %broadcast_in_dim3A = arith.constant 0.000000e+00 : f32
    %broadcast_in_dim3A_13 = vector.broadcast %broadcast_in_dim3A : f32 to vector<16xf32>
    %swap3A = arith.constant 0 : index
    %swap3A_14 = tpu.vector_load %arg10[%swap3A] {strides = array<i32>} : memref<512xf32, #tpu.memory_space<vmem>>, vector<16xf32>,
    tpu.vector_store %arg10[%swap3A], %broadcast_in_dim3A_13 {strides = array<i32>} : memref<512xf32, #tpu.memory_space<vmem>>, vector<16xf32>,
    %swap3A_15 = arith.constant 16 : index
    %swap3A_16 = tpu.vector_load %arg10[%swap3A_15] {strides = array<i32>} : memref<512xf32, #tpu.memory_space<vmem>>, vector<16xf32>,
    tpu.vector_store %arg10[%swap3A_15], %broadcast_in_dim3A_13 {strides = array<i32>} : memref<512xf32, #tpu.memory_space<vmem>>, vector<16xf32>,
    %swap3A_17 = arith.constant 32 : index
    %swap3A_18 = tpu.vector_load %arg10[%swap3A_17] {strides = array<i32>} : memref<512xf32, #tpu.memory_space<vmem>>, vector<16xf32>,
    tpu.vector_store %arg10[%swap3A_17], %broadcast_in_dim3A_13 {strides = array<i32>} : memref<512xf32, #tpu.memory_space<vmem>>, vector<16xf32>,
    %swap3A_19 = arith.constant 48 : index
    %swap3A_20 = tpu.vector_load %arg10[%swap3A_19] {strides = array<i32>} : memref<512xf32, #tpu.memory_space<vmem>>, vector<16xf32>,
    tpu.vector_store %arg10[%swap3A_19], %broadcast_in_dim3A_13 {strides = array<i32>} : memref<512xf32, #tpu.memory_space<vmem>>, vector<16xf32>,
    %swap3A_21 = arith.constant 64 : index
    %swap3A_22 = tpu.vector_load %arg10[%swap3A_21] {strides = array<i32>} : memref<512xf32, #tpu.memory_space<vmem>>, vector<16xf32>,
    tpu.vector_store %arg10[%swap3A_21], %broadcast_in_dim3A_13 {strides = array<i32>} : memref<512xf32, #tpu.memory_space<vmem>>, vector<16xf32>,
    %swap3A_23 = arith.constant 80 : index
    %swap3A_24 = tpu.vector_load %arg10[%swap3A_23] {strides = array<i32>} : memref<512xf32, #tpu.memory_space<vmem>>, vector<16xf32>,
    tpu.vector_store %arg10[%swap3A_23], %broadcast_in_dim3A_13 {strides = array<i32>} : memref<512xf32, #tpu.memory_space<vmem>>, vector<16xf32>,
    %swap3A_25 = arith.constant 96 : index
    %swap3A_26 = tpu.vector_load %arg10[%swap3A_25] {strides = array<i32>} : memref<512xf32, #tpu.memory_space<vmem>>, vector<16xf32>,
    tpu.vector_store %arg10[%swap3A_25], %broadcast_in_dim3A_13 {strides = array<i32>} : memref<512xf32, #tpu.memory_space<vmem>>, vector<16xf32>,
    %swap3A_27 = arith.constant 112 : index
    %swap3A_28 = tpu.vector_load %arg10[%swap3A_27] {strides = array<i32>} : memref<512xf32, #tpu.memory_space<vmem>>, vector<16xf32>,
    tpu.vector_store %arg10[%swap3A_27], %broadcast_in_dim3A_13 {strides = array<i32>} : memref<512xf32, #tpu.memory_space<vmem>>, vector<16xf32>,
    %swap3A_29 = arith.constant 128 : index
    %swap3A_30 = tpu.vector_load %arg10[%swap3A_29] {strides = array<i32>} : memref<512xf32, #tpu.memory_space<vmem>>, vector<16xf32>,
    tpu.vector_store %arg10[%swap3A_29], %broadcast_in_dim3A_13 {strides = array<i32>} : memref<512xf32, #tpu.memory_space<vmem>>, vector<16xf32>,
    %swap3A_31 = arith.constant 144 : index
    %swap3A_32 = tpu.vector_load %arg10[%swap3A_31] {strides = array<i32>} : memref<512xf32, #tpu.memory_space<vmem>>, vector<16xf32>,
    tpu.vector_store %arg10[%swap3A_31], %broadcast_in_dim3A_13 {strides = array<i32>} : memref<512xf32, #tpu.memory_space<vmem>>, vector<16xf32>,
    %swap3A_33 = arith.constant 160 : index
    %swap3A_34 = tpu.vector_load %arg10[%swap3A_33] {strides = array<i32>} : memref<512xf32, #tpu.memory_space<vmem>>, vector<16xf32>,
    tpu.vector_store %arg10[%swap3A_33], %broadcast_in_dim3A_13 {strides = array<i32>} : memref<512xf32, #tpu.memory_space<vmem>>, vector<16xf32>,
    %swap3A_35 = arith.constant 176 : index
    %swap3A_36 = tpu.vector_load %arg10[%swap3A_35] {strides = array<i32>} : memref<512xf32, #tpu.memory_space<vmem>>, vector<16xf32>,
    tpu.vector_store %arg10[%swap3A_35], %broadcast_in_dim3A_13 {strides = array<i32>} : memref<512xf32, #tpu.memory_space<vmem>>, vector<16xf32>,
    %swap3A_37 = arith.constant 192 : index
    %swap3A_38 = tpu.vector_load %arg10[%swap3A_37] {strides = array<i32>} : memref<512xf32, #tpu.memory_space<vmem>>, vector<16xf32>,
    tpu.vector_store %arg10[%swap3A_37], %broadcast_in_dim3A_13 {strides = array<i32>} : memref<512xf32, #tpu.memory_space<vmem>>, vector<16xf32>,
    %swap3A_39 = arith.constant 208 : index
    %swap3A_40 = tpu.vector_load %arg10[%swap3A_39] {strides = array<i32>} : memref<512xf32, #tpu.memory_space<vmem>>, vector<16xf32>,
    tpu.vector_store %arg10[%swap3A_39], %broadcast_in_dim3A_13 {strides = array<i32>} : memref<512xf32, #tpu.memory_space<vmem>>, vector<16xf32>,
    %swap3A_41 = arith.constant 224 : index
    %swap3A_42 = tpu.vector_load %arg10[%swap3A_41] {strides = array<i32>} : memref<512xf32, #tpu.memory_space<vmem>>, vector<16xf32>,
    tpu.vector_store %arg10[%swap3A_41], %broadcast_in_dim3A_13 {strides = array<i32>} : memref<512xf32, #tpu.memory_space<vmem>>, vector<16xf32>,
    %swap3A_43 = arith.constant 240 : index
    %swap3A_44 = tpu.vector_load %arg10[%swap3A_43] {strides = array<i32>} : memref<512xf32, #tpu.memory_space<vmem>>, vector<16xf32>,
    tpu.vector_store %arg10[%swap3A_43], %broadcast_in_dim3A_13 {strides = array<i32>} : memref<512xf32, #tpu.memory_space<vmem>>, vector<16xf32>,
    %swap3A_45 = arith.constant 256 : index
    %swap3A_46 = tpu.vector_load %arg10[%swap3A_45] {strides = array<i32>} : memref<512xf32, #tpu.memory_space<vmem>>, vector<16xf32>,
    tpu.vector_store %arg10[%swap3A_45], %broadcast_in_dim3A_13 {strides = array<i32>} : memref<512xf32, #tpu.memory_space<vmem>>, vector<16xf32>,
    %swap3A_47 = arith.constant 272 : index
    %swap3A_48 = tpu.vector_load %arg10[%swap3A_47] {strides = array<i32>} : memref<512xf32, #tpu.memory_space<vmem>>, vector<16xf32>,
    tpu.vector_store %arg10[%swap3A_47], %broadcast_in_dim3A_13 {strides = array<i32>} : memref<512xf32, #tpu.memory_space<vmem>>, vector<16xf32>,
    %swap3A_49 = arith.constant 288 : index
    %swap3A_50 = tpu.vector_load %arg10[%swap3A_49] {strides = array<i32>} : memref<512xf32, #tpu.memory_space<vmem>>, vector<16xf32>,
    tpu.vector_store %arg10[%swap3A_49], %broadcast_in_dim3A_13 {strides = array<i32>} : memref<512xf32, #tpu.memory_space<vmem>>, vector<16xf32>,
    %swap3A_51 = arith.constant 304 : index
    %swap3A_52 = tpu.vector_load %arg10[%swap3A_51] {strides = array<i32>} : memref<512xf32, #tpu.memory_space<vmem>>, vector<16xf32>,
    tpu.vector_store %arg10[%swap3A_51], %broadcast_in_dim3A_13 {strides = array<i32>} : memref<512xf32, #tpu.memory_space<vmem>>, vector<16xf32>,
    %swap3A_53 = arith.constant 320 : index
    %swap3A_54 = tpu.vector_load %arg10[%swap3A_53] {strides = array<i32>} : memref<512xf32, #tpu.memory_space<vmem>>, vector<16xf32>,
    tpu.vector_store %arg10[%swap3A_53], %broadcast_in_dim3A_13 {strides = array<i32>} : memref<512xf32, #tpu.memory_space<vmem>>, vector<16xf32>,
    %swap3A_55 = arith.constant 336 : index
    %swap3A_56 = tpu.vector_load %arg10[%swap3A_55] {strides = array<i32>} : memref<512xf32, #tpu.memory_space<vmem>>, vector<16xf32>,
    tpu.vector_store %arg10[%swap3A_55], %broadcast_in_dim3A_13 {strides = array<i32>} : memref<512xf32, #tpu.memory_space<vmem>>, vector<16xf32>,
    %swap3A_57 = arith.constant 352 : index
    %swap3A_58 = tpu.vector_load %arg10[%swap3A_57] {strides = array<i32>} : memref<512xf32, #tpu.memory_space<vmem>>, vector<16xf32>,
    tpu.vector_store %arg10[%swap3A_57], %broadcast_in_dim3A_13 {strides = array<i32>} : memref<512xf32, #tpu.memory_space<vmem>>, vector<16xf32>,
    %swap3A_59 = arith.constant 368 : index
    %swap3A_60 = tpu.vector_load %arg10[%swap3A_59] {strides = array<i32>} : memref<512xf32, #tpu.memory_space<vmem>>, vector<16xf32>,
    tpu.vector_store %arg10[%swap3A_59], %broadcast_in_dim3A_13 {strides = array<i32>} : memref<512xf32, #tpu.memory_space<vmem>>, vector<16xf32>,
    %swap3A_61 = arith.constant 384 : index
    %swap3A_62 = tpu.vector_load %arg10[%swap3A_61] {strides = array<i32>} : memref<512xf32, #tpu.memory_space<vmem>>, vector<16xf32>,
    tpu.vector_store %arg10[%swap3A_61], %broadcast_in_dim3A_13 {strides = array<i32>} : memref<512xf32, #tpu.memory_space<vmem>>, vector<16xf32>,
    %swap3A_63 = arith.constant 400 : index
    %swap3A_64 = tpu.vector_load %arg10[%swap3A_63] {strides = array<i32>} : memref<512xf32, #tpu.memory_space<vmem>>, vector<16xf32>,
    tpu.vector_store %arg10[%swap3A_63], %broadcast_in_dim3A_13 {strides = array<i32>} : memref<512xf32, #tpu.memory_space<vmem>>, vector<16xf32>,
    %swap3A_65 = arith.constant 416 : index
    %swap3A_66 = tpu.vector_load %arg10[%swap3A_65] {strides = array<i32>} : memref<512xf32, #tpu.memory_space<vmem>>, vector<16xf32>,
    tpu.vector_store %arg10[%swap3A_65], %broadcast_in_dim3A_13 {strides = array<i32>} : memref<512xf32, #tpu.memory_space<vmem>>, vector<16xf32>,
    %swap3A_67 = arith.constant 432 : index
    %swap3A_68 = tpu.vector_load %arg10[%swap3A_67] {strides = array<i32>} : memref<512xf32, #tpu.memory_space<vmem>>, vector<16xf32>,
    tpu.vector_store %arg10[%swap3A_67], %broadcast_in_dim3A_13 {strides = array<i32>} : memref<512xf32, #tpu.memory_space<vmem>>, vector<16xf32>,
    %swap3A_69 = arith.constant 448 : index
    %swap3A_70 = tpu.vector_load %arg10[%swap3A_69] {strides = array<i32>} : memref<512xf32, #tpu.memory_space<vmem>>, vector<16xf32>,
    tpu.vector_store %arg10[%swap3A_69], %broadcast_in_dim3A_13 {strides = array<i32>} : memref<512xf32, #tpu.memory_space<vmem>>, vector<16xf32>,
    %swap3A_71 = arith.constant 464 : index
    %swap3A_72 = tpu.vector_load %arg10[%swap3A_71] {strides = array<i32>} : memref<512xf32, #tpu.memory_space<vmem>>, vector<16xf32>,
    tpu.vector_store %arg10[%swap3A_71], %broadcast_in_dim3A_13 {strides = array<i32>} : memref<512xf32, #tpu.memory_space<vmem>>, vector<16xf32>,
    %swap3A_73 = arith.constant 480 : index
    %swap3A_74 = tpu.vector_load %arg10[%swap3A_73] {strides = array<i32>} : memref<512xf32, #tpu.memory_space<vmem>>, vector<16xf32>,
    tpu.vector_store %arg10[%swap3A_73], %broadcast_in_dim3A_13 {strides = array<i32>} : memref<512xf32, #tpu.memory_space<vmem>>, vector<16xf32>,
    %swap3A_75 = arith.constant 496 : index
    %swap3A_76 = tpu.vector_load %arg10[%swap3A_75] {strides = array<i32>} : memref<512xf32, #tpu.memory_space<vmem>>, vector<16xf32>,
    tpu.vector_store %arg10[%swap3A_75], %broadcast_in_dim3A_13 {strides = array<i32>} : memref<512xf32, #tpu.memory_space<vmem>>, vector<16xf32>,
    %dma_wait3A = tpu.memref_slice %arg2[%mul3A_2] : memref<106496xf32, #tpu.memory_space<hbm>> -> memref<3328xf32, #tpu.memory_space<hbm>>
    %dma_wait3A_77 = tpu.memref_slice %arg2[%mul3A_2] : memref<106496xf32, #tpu.memory_space<hbm>> -> memref<3328xf32, #tpu.memory_space<hbm>>
    tpu.wait_dma2 semaphore(%arg12 : memref<!tpu.dma_semaphore, #tpu.memory_space<semaphore_mem>>) src(%dma_wait3A_77 : memref<3328xf32, #tpu.memory_space<hbm>>) dst(%arg7 : memref<3328xf32, #tpu.memory_space<vmem>>)
    %dma_wait3A_78 = tpu.memref_slice %arg3[%mul3A_2] : memref<106496xi32, #tpu.memory_space<hbm>> -> memref<3328xi32, #tpu.memory_space<hbm>>
    %dma_wait3A_79 = tpu.memref_slice %arg3[%mul3A_2] : memref<106496xi32, #tpu.memory_space<hbm>> -> memref<3328xi32, #tpu.memory_space<hbm>>
    tpu.wait_dma2 semaphore(%arg13 : memref<!tpu.dma_semaphore, #tpu.memory_space<semaphore_mem>>) src(%dma_wait3A_79 : memref<3328xi32, #tpu.memory_space<hbm>>) dst(%arg8 : memref<3328xi32, #tpu.memory_space<vmem>>)
    %dma_wait3A_80 = arith.constant 0 : i32
    %dma_wait3A_81 = arith.constant 0 : i32
    %dma_wait3A_82 = tpu.memref_slice %arg4[%dma_wait3A_80, %dma_wait3A_81] : memref<8x128xf32, #tpu.memory_space<hbm>> -> memref<1x16xf32, #tpu.memory_space<hbm>>
    %dma_wait3A_83 = tpu.memref_squeeze %dma_wait3A_82 : memref<1x16xf32, #tpu.memory_space<hbm>> -> memref<16xf32, #tpu.memory_space<hbm>>
    %dma_wait3A_84 = arith.constant 0 : i32
    %dma_wait3A_85 = tpu.memref_slice %arg4[%dma_wait3A_80, %dma_wait3A_84] : memref<8x128xf32, #tpu.memory_space<hbm>> -> memref<1x16xf32, #tpu.memory_space<hbm>>
    %dma_wait3A_86 = tpu.memref_squeeze %dma_wait3A_85 : memref<1x16xf32, #tpu.memory_space<hbm>> -> memref<16xf32, #tpu.memory_space<hbm>>
    tpu.wait_dma2 semaphore(%arg14 : memref<!tpu.dma_semaphore, #tpu.memory_space<semaphore_mem>>) src(%dma_wait3A_86 : memref<16xf32, #tpu.memory_space<hbm>>) dst(%arg11 : memref<16xf32, #tpu.memory_space<vmem>>)
    %get3A = arith.constant 0 : index
    %get3A_87 = tpu.vector_load %arg11[%get3A] {strides = array<i32>} : memref<16xf32, #tpu.memory_space<vmem>>, vector<16xf32>,
    %scan3A = arith.constant 0 : i32
    %scan3A_88 = arith.constant 0 : i32
    %scan3A_89 = arith.constant 208 : i32
    %scan3A_90 = arith.addi %scan3A_88, %scan3A_89 : i32
    %scan3A_91 = arith.constant 1 : i32
    scf.for %scan3A_93 = %scan3A_88 to %scan3A_90 step %scan3A_91  : i32 {
      %mul3A_94 = arith.constant 16 : i32
      %mul3A_95 = arith.muli %scan3A_93, %mul3A_94 : i32
      %get3A_96 = arith.index_cast %mul3A_95 : i32 to index
      %get3A_97 = tpu.vector_load %arg7[%get3A_96] {strides = array<i32>} : memref<3328xf32, #tpu.memory_space<vmem>>, vector<16xf32>,
      %sub3A = arith.subf %get3A_97, %get3A_87 : vector<16xf32>
      %exp3A = math.exp %sub3A : vector<16xf32>
      %swap3A_98 = arith.index_cast %mul3A_95 : i32 to index
      %swap3A_99 = tpu.vector_load %arg9[%swap3A_98] {strides = array<i32>} : memref<3328xf32, #tpu.memory_space<vmem>>, vector<16xf32>,
      tpu.vector_store %arg9[%swap3A_98], %exp3A {strides = array<i32>} : memref<3328xf32, #tpu.memory_space<vmem>>, vector<16xf32>,
      %get3A_100 = arith.index_cast %mul3A_95 : i32 to index
      %get3A_101 = tpu.vector_load %arg8[%get3A_100] {strides = array<i32>} : memref<3328xi32, #tpu.memory_space<vmem>>, vector<16xi32>,
      tpu.vector_store_idx %arg10[%get3A_101], %exp3A {add = true} : memref<512xf32, #tpu.memory_space<vmem>>[vector<16xi32>], vector<16xf32>,
    }
    %scan3A_92 = arith.constant 208 : i32
    "tpu.region"() ({
      %run_scoped3A = tpu.sem_alloc : memref<!tpu.dma_semaphore, #tpu.memory_space<semaphore_mem>>
      %dma_start3A_93 = tpu.memref_slice %arg5[%mul3A_2] : memref<106496xf32, #tpu.memory_space<hbm>> -> memref<3328xf32, #tpu.memory_space<hbm>>
      %dma_start3A_94 = tpu.memref_slice %arg5[%mul3A_2] : memref<106496xf32, #tpu.memory_space<hbm>> -> memref<3328xf32, #tpu.memory_space<hbm>>
      tpu.enqueue_dma source(%arg9 : memref<3328xf32, #tpu.memory_space<vmem>>) target(%dma_start3A_94 : memref<3328xf32, #tpu.memory_space<hbm>>) target_semaphore(%run_scoped3A : memref<!tpu.dma_semaphore, #tpu.memory_space<semaphore_mem>>)
      %dma_wait3A_95 = tpu.memref_slice %arg5[%mul3A_2] : memref<106496xf32, #tpu.memory_space<hbm>> -> memref<3328xf32, #tpu.memory_space<hbm>>
      %dma_wait3A_96 = tpu.memref_slice %arg5[%mul3A_2] : memref<106496xf32, #tpu.memory_space<hbm>> -> memref<3328xf32, #tpu.memory_space<hbm>>
      tpu.wait_dma2 semaphore(%run_scoped3A : memref<!tpu.dma_semaphore, #tpu.memory_space<semaphore_mem>>) src(%arg9 : memref<3328xf32, #tpu.memory_space<vmem>>) dst(%dma_wait3A_96 : memref<3328xf32, #tpu.memory_space<hbm>>)
      tpu.yield
    }) : () -> ()
    "tpu.region"() ({
      %run_scoped3A = tpu.sem_alloc : memref<!tpu.dma_semaphore, #tpu.memory_space<semaphore_mem>>
      %dma_start3A_93 = arith.constant 0 : i32
      %dma_start3A_94 = tpu.memref_slice %arg6[%add3A, %dma_start3A_93] : memref<32x512xf32, #tpu.memory_space<hbm>> -> memref<1x512xf32, #tpu.memory_space<hbm>>
      %dma_start3A_95 = tpu.memref_squeeze %dma_start3A_94 : memref<1x512xf32, #tpu.memory_space<hbm>> -> memref<512xf32, #tpu.memory_space<hbm>>
      %dma_start3A_96 = arith.constant 0 : i32
      %dma_start3A_97 = tpu.memref_slice %arg6[%add3A, %dma_start3A_96] : memref<32x512xf32, #tpu.memory_space<hbm>> -> memref<1x512xf32, #tpu.memory_space<hbm>>
      %dma_start3A_98 = tpu.memref_squeeze %dma_start3A_97 : memref<1x512xf32, #tpu.memory_space<hbm>> -> memref<512xf32, #tpu.memory_space<hbm>>
      tpu.enqueue_dma source(%arg10 : memref<512xf32, #tpu.memory_space<vmem>>) target(%dma_start3A_98 : memref<512xf32, #tpu.memory_space<hbm>>) target_semaphore(%run_scoped3A : memref<!tpu.dma_semaphore, #tpu.memory_space<semaphore_mem>>)
      %dma_wait3A_99 = arith.constant 0 : i32
      %dma_wait3A_100 = tpu.memref_slice %arg6[%add3A, %dma_wait3A_99] : memref<32x512xf32, #tpu.memory_space<hbm>> -> memref<1x512xf32, #tpu.memory_space<hbm>>
      %dma_wait3A_101 = tpu.memref_squeeze %dma_wait3A_100 : memref<1x512xf32, #tpu.memory_space<hbm>> -> memref<512xf32, #tpu.memory_space<hbm>>
      %dma_wait3A_102 = arith.constant 0 : i32
      %dma_wait3A_103 = tpu.memref_slice %arg6[%add3A, %dma_wait3A_102] : memref<32x512xf32, #tpu.memory_space<hbm>> -> memref<1x512xf32, #tpu.memory_space<hbm>>
      %dma_wait3A_104 = tpu.memref_squeeze %dma_wait3A_103 : memref<1x512xf32, #tpu.memory_space<hbm>> -> memref<512xf32, #tpu.memory_space<hbm>>
      tpu.wait_dma2 semaphore(%run_scoped3A : memref<!tpu.dma_semaphore, #tpu.memory_space<semaphore_mem>>) src(%arg10 : memref<512xf32, #tpu.memory_space<vmem>>) dst(%dma_wait3A_104 : memref<512xf32, #tpu.memory_space<hbm>>)
      tpu.yield
    }) : () -> ()
    return
  }
}

module attributes {stable_mosaic.version = 14 : i64} {
  func.func @_k1_body(%arg0: i32, %arg1: memref<8192x128xf32, #tpu.memory_space<vmem>>, %arg2: memref<128x64xf32, #tpu.memory_space<vmem>>, %arg3: memref<1x64xf32, #tpu.memory_space<vmem>>, %arg4: memref<64x1xf32, #tpu.memory_space<vmem>>, %arg5: memref<1x1xf32, #tpu.memory_space<vmem>>, %arg6: memref<8192x1xf32, #tpu.memory_space<vmem>>, %arg7: memref<8x128xf32, #tpu.memory_space<vmem>>, %arg8: memref<8x128xf32, #tpu.memory_space<vmem>>) attributes {dimension_semantics = [#tpu.dimension_semantics<arbitrary>], iteration_bounds = array<i64: 13>, scalar_prefetch = 0 : i64, scratch_operands = 1 : i64, tpu.core_type = #tpu.core_type<tc>, window_params = [{transform_indices = @transform_0, window_bounds = array<i64: 8192, 128>}, {pipeline_mode = #tpu.pipeline_mode<synchronous>, transform_indices = @transform_1, window_bounds = array<i64: 128, 64>}, {pipeline_mode = #tpu.pipeline_mode<synchronous>, transform_indices = @transform_2, window_bounds = array<i64: 1, 64>}, {pipeline_mode = #tpu.pipeline_mode<synchronous>, transform_indices = @transform_3, window_bounds = array<i64: 64, 1>}, {pipeline_mode = #tpu.pipeline_mode<synchronous>, transform_indices = @transform_4, window_bounds = array<i64: 1, 1>}, {transform_indices = @transform_5, window_bounds = array<i64: 8192, 1>}, {pipeline_mode = #tpu.pipeline_mode<synchronous>, transform_indices = @transform_6, window_bounds = array<i64: 8, 128>}]} {
    %get3A = arith.constant 0 : index
    %get3A_0 = arith.constant 0 : index
    %get3A_1 = vector.load %arg1[%get3A, %get3A_0] : memref<8192x128xf32, #tpu.memory_space<vmem>>, vector<8192x128xf32>
    %get3A_2 = arith.constant 0 : index
    %get3A_3 = arith.constant 0 : index
    %get3A_4 = vector.load %arg2[%get3A_2, %get3A_3] : memref<128x64xf32, #tpu.memory_space<vmem>>, vector<128x64xf32>
    %dot_general3A = arith.constant dense<0.000000e+00> : vector<8192x64xf32>
    %dot_general3A_5 = tpu.matmul %get3A_1, %get3A_4, %dot_general3A {dimension_numbers = #tpu.dot_dimension_numbers<[1], [0], [0], [1], [0, 0, 1, 1], [], []>, transpose_lhs_hint = false} : vector<8192x128xf32>, vector<128x64xf32>, vector<8192x64xf32> -> vector<8192x64xf32>
    %get3A_6 = arith.constant 0 : index
    %get3A_7 = arith.constant 0 : index
    %get3A_8 = vector.load %arg3[%get3A_6, %get3A_7] : memref<1x64xf32, #tpu.memory_space<vmem>>, vector<1x64xf32>
    %add3A = vector.broadcast %get3A_8 : vector<1x64xf32> to vector<8192x64xf32>
    %add3A_9 = arith.addf %dot_general3A_5, %add3A : vector<8192x64xf32>
    %logistic3A = arith.negf %add3A_9 : vector<8192x64xf32>
    %logistic3A_10 = math.exp %logistic3A : vector<8192x64xf32>
    %logistic3A_11 = arith.constant 1.000000e+00 : f32
    %logistic3A_12 = vector.broadcast %logistic3A_11 : f32 to vector<8192x64xf32>
    %logistic3A_13 = arith.addf %logistic3A_12, %logistic3A_10 : vector<8192x64xf32>
    %logistic3A_14 = arith.divf %logistic3A_12, %logistic3A_13 : vector<8192x64xf32>
    %mul3A = arith.mulf %add3A_9, %logistic3A_14 : vector<8192x64xf32>
    %get3A_15 = arith.constant 0 : index
    %get3A_16 = arith.constant 0 : index
    %get3A_17 = vector.load %arg4[%get3A_15, %get3A_16] : memref<64x1xf32, #tpu.memory_space<vmem>>, vector<64x1xf32>
    %dot_general3A_18 = arith.constant dense<0.000000e+00> : vector<8192x1xf32>
    %dot_general3A_19 = tpu.matmul %mul3A, %get3A_17, %dot_general3A_18 {dimension_numbers = #tpu.dot_dimension_numbers<[1], [0], [0], [1], [0, 0, 1, 1], [], []>, transpose_lhs_hint = false} : vector<8192x64xf32>, vector<64x1xf32>, vector<8192x1xf32> -> vector<8192x1xf32>
    %get3A_20 = arith.constant 0 : index
    %get3A_21 = arith.constant 0 : index
    %get3A_22 = vector.load %arg5[%get3A_20, %get3A_21] : memref<1x1xf32, #tpu.memory_space<vmem>>, vector<1x1xf32>
    %add3A_23 = vector.broadcast %get3A_22 : vector<1x1xf32> to vector<8192x1xf32>
    %add3A_24 = arith.addf %dot_general3A_19, %add3A_23 : vector<8192x1xf32>
    %swap3A = arith.constant 0 : index
    %swap3A_25 = arith.constant 0 : index
    %swap3A_26 = vector.load %arg6[%swap3A, %swap3A_25] : memref<8192x1xf32, #tpu.memory_space<vmem>>, vector<8192x1xf32>
    tpu.vector_store %arg6[%swap3A, %swap3A_25], %add3A_24 {strides = array<i32>} : memref<8192x1xf32, #tpu.memory_space<vmem>>, vector<8192x1xf32>,
    %eq3A = arith.constant 12 : i32
    %eq3A_27 = arith.cmpi eq, %arg0, %eq3A : i32
    %convert_element_type3A = arith.extui %eq3A_27 : i1 to i32
    %cond3A = arith.constant 0 : i32
    %cond3A_28 = arith.cmpi ne, %convert_element_type3A, %cond3A : i32
    scf.if %cond3A_28 {
      %mul3A_53 = arith.constant 8192 : i32
      %mul3A_54 = arith.muli %arg0, %mul3A_53 : i32
      %iota3A = tpu.iota {dimensions = array<i32: 0>} : vector<8192x1xi32>
      %add3A_55 = vector.broadcast %mul3A_54 : i32 to vector<8192x1xi32>
      %add3A_56 = arith.addi %add3A_55, %iota3A : vector<8192x1xi32>
      %lt3A = arith.constant 100000 : i32
      %lt3A_57 = vector.broadcast %lt3A : i32 to vector<8192x1xi32>
      %lt3A_58 = arith.cmpi slt, %add3A_56, %lt3A_57 : vector<8192x1xi32>
      %jit3A = arith.constant -1.000000e+30 : f32
      %broadcast_in_dim3A = vector.broadcast %jit3A : f32 to vector<8192x1xf32>
      %select_n3A = arith.select %lt3A_58, %add3A_24, %broadcast_in_dim3A : vector<8192x1xi1>, vector<8192x1xf32>
      %swap3A_59 = arith.constant 0 : index
      %swap3A_60 = arith.constant 0 : index
      %swap3A_61 = vector.load %arg6[%swap3A_59, %swap3A_60] : memref<8192x1xf32, #tpu.memory_space<vmem>>, vector<8192x1xf32>
      tpu.vector_store %arg6[%swap3A_59, %swap3A_60], %select_n3A {strides = array<i32>} : memref<8192x1xf32, #tpu.memory_space<vmem>>, vector<8192x1xf32>,
    } else {
    }
    %eq3A_29 = arith.constant 0 : i32
    %eq3A_30 = arith.cmpi eq, %arg0, %eq3A_29 : i32
    %convert_element_type3A_31 = arith.extui %eq3A_30 : i1 to i32
    %cond3A_32 = arith.constant 0 : i32
    %cond3A_33 = arith.cmpi ne, %convert_element_type3A_31, %cond3A_32 : i32
    scf.if %cond3A_33 {
      %broadcast_in_dim3A = arith.constant -1.000000e+30 : f32
      %broadcast_in_dim3A_53 = vector.broadcast %broadcast_in_dim3A : f32 to vector<8x128xf32>
      %swap3A_54 = arith.constant 0 : index
      %swap3A_55 = arith.constant 0 : index
      %swap3A_56 = vector.load %arg8[%swap3A_54, %swap3A_55] : memref<8x128xf32, #tpu.memory_space<vmem>>, vector<8x128xf32>
      tpu.vector_store %arg8[%swap3A_54, %swap3A_55], %broadcast_in_dim3A_53 {strides = array<i32>} : memref<8x128xf32, #tpu.memory_space<vmem>>, vector<8x128xf32>,
    } else {
    }
    %get3A_34 = arith.constant 0 : index
    %get3A_35 = arith.constant 0 : index
    %get3A_36 = vector.load %arg8[%get3A_34, %get3A_35] : memref<8x128xf32, #tpu.memory_space<vmem>>, vector<8x128xf32>
    %get3A_37 = arith.constant 0 : index
    %get3A_38 = arith.constant 0 : index
    %get3A_39 = vector.load %arg6[%get3A_37, %get3A_38] : memref<8192x1xf32, #tpu.memory_space<vmem>>, vector<8192x1xf32>
    %reduce_max3A = vector.shape_cast %get3A_39 : vector<8192x1xf32> to vector<1x8192x1xf32>
    %reduce_max3A_40 = arith.constant dense<0xFF800000> : vector<1xf32>
    %reduce_max3A_41 = vector.multi_reduction <maximumf>, %reduce_max3A, %reduce_max3A_40 [1, 2] : vector<1x8192x1xf32> to vector<1xf32>
    %reduce_max3A_42 = vector.shape_cast %reduce_max3A_41 : vector<1xf32> to vector<1x1x1xf32>
    %reduce_max3A_43 = vector.extract %reduce_max3A_42[0, 0, 0] : f32 from vector<1x1x1xf32>
    %max3A = vector.broadcast %reduce_max3A_43 : f32 to vector<8x128xf32>
    %max3A_44 = arith.maximumf %get3A_36, %max3A : vector<8x128xf32>
    %swap3A_45 = arith.constant 0 : index
    %swap3A_46 = arith.constant 0 : index
    %swap3A_47 = vector.load %arg8[%swap3A_45, %swap3A_46] : memref<8x128xf32, #tpu.memory_space<vmem>>, vector<8x128xf32>
    tpu.vector_store %arg8[%swap3A_45, %swap3A_46], %max3A_44 {strides = array<i32>} : memref<8x128xf32, #tpu.memory_space<vmem>>, vector<8x128xf32>,
    %eq3A_48 = arith.constant 12 : i32
    %eq3A_49 = arith.cmpi eq, %arg0, %eq3A_48 : i32
    %convert_element_type3A_50 = arith.extui %eq3A_49 : i1 to i32
    %cond3A_51 = arith.constant 0 : i32
    %cond3A_52 = arith.cmpi ne, %convert_element_type3A_50, %cond3A_51 : i32
    scf.if %cond3A_52 {
      %get3A_53 = arith.constant 0 : index
      %get3A_54 = arith.constant 0 : index
      %get3A_55 = vector.load %arg8[%get3A_53, %get3A_54] : memref<8x128xf32, #tpu.memory_space<vmem>>, vector<8x128xf32>
      %swap3A_56 = arith.constant 0 : index
      %swap3A_57 = arith.constant 0 : index
      %swap3A_58 = vector.load %arg7[%swap3A_56, %swap3A_57] : memref<8x128xf32, #tpu.memory_space<vmem>>, vector<8x128xf32>
      tpu.vector_store %arg7[%swap3A_56, %swap3A_57], %get3A_55 {strides = array<i32>} : memref<8x128xf32, #tpu.memory_space<vmem>>, vector<8x128xf32>,
    } else {
    }
    return
  }
  func.func @transform_0(%arg0: i32) -> (i32, i32) {
    %c0_i32 = arith.constant 0 : i32
    %c0_i32_0 = arith.constant 0 : i32
    return %arg0, %c0_i32 : i32, i32
  }
  func.func @transform_1(%arg0: i32) -> (i32, i32) {
    %c0_i32 = arith.constant 0 : i32
    %c0_i32_0 = arith.constant 0 : i32
    %c0_i32_1 = arith.constant 0 : i32
    return %c0_i32, %c0_i32_0 : i32, i32
  }
  func.func @transform_2(%arg0: i32) -> (i32, i32) {
    %c0_i32 = arith.constant 0 : i32
    %c0_i32_0 = arith.constant 0 : i32
    %c0_i32_1 = arith.constant 0 : i32
    return %c0_i32, %c0_i32_0 : i32, i32
  }
  func.func @transform_3(%arg0: i32) -> (i32, i32) {
    %c0_i32 = arith.constant 0 : i32
    %c0_i32_0 = arith.constant 0 : i32
    %c0_i32_1 = arith.constant 0 : i32
    return %c0_i32, %c0_i32_0 : i32, i32
  }
  func.func @transform_4(%arg0: i32) -> (i32, i32) {
    %c0_i32 = arith.constant 0 : i32
    %c0_i32_0 = arith.constant 0 : i32
    %c0_i32_1 = arith.constant 0 : i32
    return %c0_i32, %c0_i32_0 : i32, i32
  }
  func.func @transform_5(%arg0: i32) -> (i32, i32) {
    %c0_i32 = arith.constant 0 : i32
    %c0_i32_0 = arith.constant 0 : i32
    return %arg0, %c0_i32 : i32, i32
  }
  func.func @transform_6(%arg0: i32) -> (i32, i32) {
    %c0_i32 = arith.constant 0 : i32
    %c0_i32_0 = arith.constant 0 : i32
    %c0_i32_1 = arith.constant 0 : i32
    return %c0_i32, %c0_i32_0 : i32, i32
  }
}

module attributes {stable_mosaic.version = 14 : i64} {
  func.func @_k3_body(%arg0: i32, %arg1: memref<8192x128xf32, #tpu.memory_space<vmem>>, %arg2: memref<1x1x8192xf32, #tpu.memory_space<vmem>>, %arg3: memref<1x1x8192xi32, #tpu.memory_space<vmem>>, %arg4: memref<13xi32, #tpu.memory_space<smem>>, %arg5: memref<13xi32, #tpu.memory_space<smem>>, %arg6: memref<128x128xf32, #tpu.memory_space<vmem>>, %arg7: memref<1x128xf32, #tpu.memory_space<vmem>>, %arg8: memref<32x512xf32, #tpu.memory_space<vmem>>, %arg9: memref<512x128xf32, #tpu.memory_space<vmem>>) attributes {dimension_semantics = [#tpu.dimension_semantics<arbitrary>], iteration_bounds = array<i64: 13>, scalar_prefetch = 0 : i64, scratch_operands = 0 : i64, tpu.core_type = #tpu.core_type<tc>, window_params = [{transform_indices = @transform_0, window_bounds = array<i64: 8192, 128>}, {transform_indices = @transform_1, window_bounds = array<i64: 1, 1, 8192>}, {transform_indices = @transform_2, window_bounds = array<i64: 1, 1, 8192>}, {transform_indices = @transform_3, window_bounds = array<i64: 13>}, {transform_indices = @transform_4, window_bounds = array<i64: 13>}, {pipeline_mode = #tpu.pipeline_mode<synchronous>, transform_indices = @transform_5, window_bounds = array<i64: 128, 128>}, {pipeline_mode = #tpu.pipeline_mode<synchronous>, transform_indices = @transform_6, window_bounds = array<i64: 1, 128>}, {pipeline_mode = #tpu.pipeline_mode<synchronous>, transform_indices = @transform_7, window_bounds = array<i64: 32, 512>}, {pipeline_mode = #tpu.pipeline_mode<synchronous>, transform_indices = @transform_8, window_bounds = array<i64: 512, 128>}]} {
    %eq3A = arith.constant 0 : i32
    %eq3A_0 = arith.cmpi eq, %arg0, %eq3A : i32
    %convert_element_type3A = arith.extui %eq3A_0 : i1 to i32
    %cond3A = arith.constant 0 : i32
    %cond3A_1 = arith.cmpi ne, %convert_element_type3A, %cond3A : i32
    scf.if %cond3A_1 {
      %broadcast_in_dim3A_45 = arith.constant 0.000000e+00 : f32
      %broadcast_in_dim3A_46 = vector.broadcast %broadcast_in_dim3A_45 : f32 to vector<512x128xf32>
      %swap3A = arith.constant 0 : index
      %swap3A_47 = arith.constant 0 : index
      %swap3A_48 = vector.load %arg9[%swap3A, %swap3A_47] : memref<512x128xf32, #tpu.memory_space<vmem>>, vector<512x128xf32>
      tpu.vector_store %arg9[%swap3A, %swap3A_47], %broadcast_in_dim3A_46 {strides = array<i32>} : memref<512x128xf32, #tpu.memory_space<vmem>>, vector<512x128xf32>,
    } else {
    }
    %get3A = arith.constant 0 : index
    %get3A_2 = arith.constant 0 : index
    %get3A_3 = vector.load %arg1[%get3A, %get3A_2] : memref<8192x128xf32, #tpu.memory_space<vmem>>, vector<8192x128xf32>
    %get3A_4 = arith.constant 0 : index
    %get3A_5 = arith.constant 0 : index
    %get3A_6 = vector.load %arg6[%get3A_4, %get3A_5] : memref<128x128xf32, #tpu.memory_space<vmem>>, vector<128x128xf32>
    %dot_general3A = arith.constant dense<0.000000e+00> : vector<8192x128xf32>
    %dot_general3A_7 = tpu.matmul %get3A_3, %get3A_6, %dot_general3A {dimension_numbers = #tpu.dot_dimension_numbers<[1], [0], [0], [1], [0, 0, 1, 1], [], []>, transpose_lhs_hint = false} : vector<8192x128xf32>, vector<128x128xf32>, vector<8192x128xf32> -> vector<8192x128xf32>
    %get3A_8 = arith.constant 0 : index
    %get3A_9 = arith.constant 0 : index
    %get3A_10 = vector.load %arg7[%get3A_8, %get3A_9] : memref<1x128xf32, #tpu.memory_space<vmem>>, vector<1x128xf32>
    %add3A = vector.broadcast %get3A_10 : vector<1x128xf32> to vector<8192x128xf32>
    %add3A_11 = arith.addf %dot_general3A_7, %add3A : vector<8192x128xf32>
    %logistic3A = arith.negf %add3A_11 : vector<8192x128xf32>
    %logistic3A_12 = math.exp %logistic3A : vector<8192x128xf32>
    %logistic3A_13 = arith.constant 1.000000e+00 : f32
    %logistic3A_14 = vector.broadcast %logistic3A_13 : f32 to vector<8192x128xf32>
    %logistic3A_15 = arith.addf %logistic3A_14, %logistic3A_12 : vector<8192x128xf32>
    %logistic3A_16 = arith.divf %logistic3A_14, %logistic3A_15 : vector<8192x128xf32>
    %mul3A = arith.mulf %add3A_11, %logistic3A_16 : vector<8192x128xf32>
    %get3A_17 = arith.constant 0 : index
    %get3A_18 = arith.constant 0 : index
    %get3A_19 = arith.constant 0 : index
    %get3A_20 = vector.load %arg3[%get3A_17, %get3A_18, %get3A_19] : memref<1x1x8192xi32, #tpu.memory_space<vmem>>, vector<1x1x8192xi32>
    %get3A_21 = vector.shape_cast %get3A_20 : vector<1x1x8192xi32> to vector<1x8192xi32>
    %broadcast_in_dim3A = vector.shape_cast %get3A_21 : vector<1x8192xi32> to vector<1x8192xi32>
    %broadcast_in_dim3A_22 = vector.broadcast %broadcast_in_dim3A : vector<1x8192xi32> to vector<64x8192xi32>
    %get3A_23 = arith.constant 0 : index
    %get3A_24 = arith.constant 0 : index
    %get3A_25 = arith.constant 0 : index
    %get3A_26 = vector.load %arg2[%get3A_23, %get3A_24, %get3A_25] : memref<1x1x8192xf32, #tpu.memory_space<vmem>>, vector<1x1x8192xf32>
    %get3A_27 = vector.shape_cast %get3A_26 : vector<1x1x8192xf32> to vector<1x8192xf32>
    %broadcast_in_dim3A_28 = vector.shape_cast %get3A_27 : vector<1x8192xf32> to vector<1x8192xf32>
    %broadcast_in_dim3A_29 = vector.broadcast %broadcast_in_dim3A_28 : vector<1x8192xf32> to vector<64x8192xf32>
    %get3A_30 = arith.index_cast %arg0 : i32 to index
    %get3A_31 = memref.load %arg5[%get3A_30] : memref<13xi32, #tpu.memory_space<smem>>
    %get3A_32 = arith.index_cast %arg0 : i32 to index
    %get3A_33 = memref.load %arg4[%get3A_32] : memref<13xi32, #tpu.memory_space<smem>>
    %ne3A = arith.constant 0 : i32
    %ne3A_34 = arith.cmpi ne, %get3A_31, %ne3A : i32
    %jit3A = arith.constant 8 : i32
    %jit3A_35 = arith.constant 1 : i32
    %select_n3A = arith.select %ne3A_34, %jit3A, %jit3A_35 : i32
    %iota3A = tpu.iota {dimensions = array<i32: 0>} : vector<64x8192xi32>
    %lt3A = arith.constant 12 : i32
    %lt3A_36 = arith.cmpi slt, %arg0, %lt3A : i32
    %convert_element_type3A_37 = arith.extui %lt3A_36 : i1 to i32
    %cond3A_38 = arith.constant 0 : i32
    %cond3A_39 = arith.cmpi ne, %convert_element_type3A_37, %cond3A_38 : i32
    scf.if %cond3A_39 {
      %while3A = arith.constant 0 : i32
      %while3A_45 = arith.constant 0 : i32
      %while3A_46 = arith.subi %select_n3A, %while3A_45 : i32
      %while3A_47 = arith.addi %while3A_45, %while3A_46 : i32
      %while3A_48 = arith.constant 1 : i32
      %while3A_49 = arith.divsi %while3A_46, %while3A_48 : i32
      %while3A_50 = arith.muli %while3A_49, %while3A_48 : i32
      %while3A_51 = arith.addi %while3A_45, %while3A_50 : i32
      %while3A_52 = arith.constant 1 : i32
      scf.for %while3A_54 = %while3A_45 to %while3A_51 step %while3A_52  : i32 {
        %ne3A_55 = arith.constant 0 : i32
        %ne3A_56 = arith.cmpi ne, %get3A_31, %ne3A_55 : i32
        %mul3A_57 = arith.constant 64 : i32
        %mul3A_58 = arith.muli %while3A_54, %mul3A_57 : i32
        %select_n3A_59 = arith.select %ne3A_56, %mul3A_58, %get3A_33 : i32
        %add3A_60 = vector.broadcast %select_n3A_59 : i32 to vector<64x8192xi32>
        %add3A_61 = arith.addi %add3A_60, %iota3A : vector<64x8192xi32>
        %eq3A_62 = arith.cmpi eq, %broadcast_in_dim3A_22, %add3A_61 : vector<64x8192xi32>
        %jit3A_63 = arith.constant 0.000000e+00 : f32
        %broadcast_in_dim3A_64 = vector.broadcast %jit3A_63 : f32 to vector<64x8192xf32>
        %select_n3A_65 = arith.select %eq3A_62, %broadcast_in_dim3A_29, %broadcast_in_dim3A_64 : vector<64x8192xi1>, vector<64x8192xf32>
        %get3A_66 = arith.index_cast %select_n3A_59 : i32 to index
        %get3A_67 = arith.constant 0 : index
        %get3A_68 = vector.load %arg9[%get3A_66, %get3A_67] : memref<512x128xf32, #tpu.memory_space<vmem>>, vector<64x128xf32>
        %dot_general3A_69 = arith.constant dense<0.000000e+00> : vector<64x128xf32>
        %dot_general3A_70 = tpu.matmul %select_n3A_65, %mul3A, %dot_general3A_69 {dimension_numbers = #tpu.dot_dimension_numbers<[1], [0], [0], [1], [0, 0, 1, 1], [], []>, transpose_lhs_hint = false} : vector<64x8192xf32>, vector<8192x128xf32>, vector<64x128xf32> -> vector<64x128xf32>
        %add3A_71 = arith.addf %get3A_68, %dot_general3A_70 : vector<64x128xf32>
        %swap3A = arith.index_cast %select_n3A_59 : i32 to index
        %swap3A_72 = arith.constant 0 : index
        %swap3A_73 = vector.load %arg9[%swap3A, %swap3A_72] : memref<512x128xf32, #tpu.memory_space<vmem>>, vector<64x128xf32>
        tpu.vector_store %arg9[%swap3A, %swap3A_72], %add3A_71 {strides = array<i32>} : memref<512x128xf32, #tpu.memory_space<vmem>>, vector<64x128xf32>,
      }
      %while3A_53 = arith.constant 1 : i32
      scf.for %while3A_54 = %while3A_51 to %while3A_47 step %while3A_53  : i32 {
        %ne3A_55 = arith.constant 0 : i32
        %ne3A_56 = arith.cmpi ne, %get3A_31, %ne3A_55 : i32
        %mul3A_57 = arith.constant 64 : i32
        %mul3A_58 = arith.muli %while3A_54, %mul3A_57 : i32
        %select_n3A_59 = arith.select %ne3A_56, %mul3A_58, %get3A_33 : i32
        %add3A_60 = vector.broadcast %select_n3A_59 : i32 to vector<64x8192xi32>
        %add3A_61 = arith.addi %add3A_60, %iota3A : vector<64x8192xi32>
        %eq3A_62 = arith.cmpi eq, %broadcast_in_dim3A_22, %add3A_61 : vector<64x8192xi32>
        %jit3A_63 = arith.constant 0.000000e+00 : f32
        %broadcast_in_dim3A_64 = vector.broadcast %jit3A_63 : f32 to vector<64x8192xf32>
        %select_n3A_65 = arith.select %eq3A_62, %broadcast_in_dim3A_29, %broadcast_in_dim3A_64 : vector<64x8192xi1>, vector<64x8192xf32>
        %get3A_66 = arith.index_cast %select_n3A_59 : i32 to index
        %get3A_67 = arith.constant 0 : index
        %get3A_68 = vector.load %arg9[%get3A_66, %get3A_67] : memref<512x128xf32, #tpu.memory_space<vmem>>, vector<64x128xf32>
        %dot_general3A_69 = arith.constant dense<0.000000e+00> : vector<64x128xf32>
        %dot_general3A_70 = tpu.matmul %select_n3A_65, %mul3A, %dot_general3A_69 {dimension_numbers = #tpu.dot_dimension_numbers<[1], [0], [0], [1], [0, 0, 1, 1], [], []>, transpose_lhs_hint = false} : vector<64x8192xf32>, vector<8192x128xf32>, vector<64x128xf32> -> vector<64x128xf32>
        %add3A_71 = arith.addf %get3A_68, %dot_general3A_70 : vector<64x128xf32>
        %swap3A = arith.index_cast %select_n3A_59 : i32 to index
        %swap3A_72 = arith.constant 0 : index
        %swap3A_73 = vector.load %arg9[%swap3A, %swap3A_72] : memref<512x128xf32, #tpu.memory_space<vmem>>, vector<64x128xf32>
        tpu.vector_store %arg9[%swap3A, %swap3A_72], %add3A_71 {strides = array<i32>} : memref<512x128xf32, #tpu.memory_space<vmem>>, vector<64x128xf32>,
      }
    } else {
    }
    %eq3A_40 = arith.constant 12 : i32
    %eq3A_41 = arith.cmpi eq, %arg0, %eq3A_40 : i32
    %convert_element_type3A_42 = arith.extui %eq3A_41 : i1 to i32
    %cond3A_43 = arith.constant 0 : i32
    %cond3A_44 = arith.cmpi ne, %convert_element_type3A_42, %cond3A_43 : i32
    scf.if %cond3A_44 {
      %mul3A_45 = arith.constant 8192 : i32
      %mul3A_46 = arith.muli %arg0, %mul3A_45 : i32
      %iota3A_47 = tpu.iota {dimensions = array<i32: 0>} : vector<8192x1xi32>
      %add3A_48 = vector.broadcast %mul3A_46 : i32 to vector<8192x1xi32>
      %add3A_49 = arith.addi %add3A_48, %iota3A_47 : vector<8192x1xi32>
      %lt3A_50 = arith.constant 100000 : i32
      %lt3A_51 = vector.broadcast %lt3A_50 : i32 to vector<8192x1xi32>
      %lt3A_52 = arith.cmpi slt, %add3A_49, %lt3A_51 : vector<8192x1xi32>
      %jit3A_53 = arith.constant 0.000000e+00 : f32
      %broadcast_in_dim3A_54 = vector.shape_cast %lt3A_52 : vector<8192x1xi1> to vector<8192x1xi1>
      %broadcast_in_dim3A_55 = vector.broadcast %broadcast_in_dim3A_54 : vector<8192x1xi1> to vector<8192x128xi1>
      %broadcast_in_dim3A_56 = vector.broadcast %jit3A_53 : f32 to vector<8192x128xf32>
      %select_n3A_57 = arith.select %broadcast_in_dim3A_55, %mul3A, %broadcast_in_dim3A_56 : vector<8192x128xi1>, vector<8192x128xf32>
      %while3A = arith.constant 0 : i32
      %while3A_58 = arith.constant 0 : i32
      %while3A_59 = arith.subi %select_n3A, %while3A_58 : i32
      %while3A_60 = arith.addi %while3A_58, %while3A_59 : i32
      %while3A_61 = arith.constant 1 : i32
      %while3A_62 = arith.divsi %while3A_59, %while3A_61 : i32
      %while3A_63 = arith.muli %while3A_62, %while3A_61 : i32
      %while3A_64 = arith.addi %while3A_58, %while3A_63 : i32
      %while3A_65 = arith.constant 1 : i32
      scf.for %while3A_81 = %while3A_58 to %while3A_64 step %while3A_65  : i32 {
        %ne3A_82 = arith.constant 0 : i32
        %ne3A_83 = arith.cmpi ne, %get3A_31, %ne3A_82 : i32
        %mul3A_84 = arith.constant 64 : i32
        %mul3A_85 = arith.muli %while3A_81, %mul3A_84 : i32
        %select_n3A_86 = arith.select %ne3A_83, %mul3A_85, %get3A_33 : i32
        %add3A_87 = vector.broadcast %select_n3A_86 : i32 to vector<64x8192xi32>
        %add3A_88 = arith.addi %add3A_87, %iota3A : vector<64x8192xi32>
        %eq3A_89 = arith.cmpi eq, %broadcast_in_dim3A_22, %add3A_88 : vector<64x8192xi32>
        %jit3A_90 = arith.constant 0.000000e+00 : f32
        %broadcast_in_dim3A_91 = vector.broadcast %jit3A_90 : f32 to vector<64x8192xf32>
        %select_n3A_92 = arith.select %eq3A_89, %broadcast_in_dim3A_29, %broadcast_in_dim3A_91 : vector<64x8192xi1>, vector<64x8192xf32>
        %get3A_93 = arith.index_cast %select_n3A_86 : i32 to index
        %get3A_94 = arith.constant 0 : index
        %get3A_95 = vector.load %arg9[%get3A_93, %get3A_94] : memref<512x128xf32, #tpu.memory_space<vmem>>, vector<64x128xf32>
        %dot_general3A_96 = arith.constant dense<0.000000e+00> : vector<64x128xf32>
        %dot_general3A_97 = tpu.matmul %select_n3A_92, %select_n3A_57, %dot_general3A_96 {dimension_numbers = #tpu.dot_dimension_numbers<[1], [0], [0], [1], [0, 0, 1, 1], [], []>, transpose_lhs_hint = false} : vector<64x8192xf32>, vector<8192x128xf32>, vector<64x128xf32> -> vector<64x128xf32>
        %add3A_98 = arith.addf %get3A_95, %dot_general3A_97 : vector<64x128xf32>
        %swap3A_99 = arith.index_cast %select_n3A_86 : i32 to index
        %swap3A_100 = arith.constant 0 : index
        %swap3A_101 = vector.load %arg9[%swap3A_99, %swap3A_100] : memref<512x128xf32, #tpu.memory_space<vmem>>, vector<64x128xf32>
        tpu.vector_store %arg9[%swap3A_99, %swap3A_100], %add3A_98 {strides = array<i32>} : memref<512x128xf32, #tpu.memory_space<vmem>>, vector<64x128xf32>,
      }
      %while3A_66 = arith.constant 1 : i32
      scf.for %while3A_81 = %while3A_64 to %while3A_60 step %while3A_66  : i32 {
        %ne3A_82 = arith.constant 0 : i32
        %ne3A_83 = arith.cmpi ne, %get3A_31, %ne3A_82 : i32
        %mul3A_84 = arith.constant 64 : i32
        %mul3A_85 = arith.muli %while3A_81, %mul3A_84 : i32
        %select_n3A_86 = arith.select %ne3A_83, %mul3A_85, %get3A_33 : i32
        %add3A_87 = vector.broadcast %select_n3A_86 : i32 to vector<64x8192xi32>
        %add3A_88 = arith.addi %add3A_87, %iota3A : vector<64x8192xi32>
        %eq3A_89 = arith.cmpi eq, %broadcast_in_dim3A_22, %add3A_88 : vector<64x8192xi32>
        %jit3A_90 = arith.constant 0.000000e+00 : f32
        %broadcast_in_dim3A_91 = vector.broadcast %jit3A_90 : f32 to vector<64x8192xf32>
        %select_n3A_92 = arith.select %eq3A_89, %broadcast_in_dim3A_29, %broadcast_in_dim3A_91 : vector<64x8192xi1>, vector<64x8192xf32>
        %get3A_93 = arith.index_cast %select_n3A_86 : i32 to index
        %get3A_94 = arith.constant 0 : index
        %get3A_95 = vector.load %arg9[%get3A_93, %get3A_94] : memref<512x128xf32, #tpu.memory_space<vmem>>, vector<64x128xf32>
        %dot_general3A_96 = arith.constant dense<0.000000e+00> : vector<64x128xf32>
        %dot_general3A_97 = tpu.matmul %select_n3A_92, %select_n3A_57, %dot_general3A_96 {dimension_numbers = #tpu.dot_dimension_numbers<[1], [0], [0], [1], [0, 0, 1, 1], [], []>, transpose_lhs_hint = false} : vector<64x8192xf32>, vector<8192x128xf32>, vector<64x128xf32> -> vector<64x128xf32>
        %add3A_98 = arith.addf %get3A_95, %dot_general3A_97 : vector<64x128xf32>
        %swap3A_99 = arith.index_cast %select_n3A_86 : i32 to index
        %swap3A_100 = arith.constant 0 : index
        %swap3A_101 = vector.load %arg9[%swap3A_99, %swap3A_100] : memref<512x128xf32, #tpu.memory_space<vmem>>, vector<64x128xf32>
        tpu.vector_store %arg9[%swap3A_99, %swap3A_100], %add3A_98 {strides = array<i32>} : memref<512x128xf32, #tpu.memory_space<vmem>>, vector<64x128xf32>,
      }
      %get3A_67 = arith.constant 0 : index
      %get3A_68 = arith.constant 0 : index
      %get3A_69 = vector.load %arg8[%get3A_67, %get3A_68] : memref<32x512xf32, #tpu.memory_space<vmem>>, vector<32x512xf32>
      %reduce_sum3A = arith.constant dense<0.000000e+00> : vector<512xf32>
      %reduce_sum3A_70 = vector.multi_reduction <add>, %get3A_69, %reduce_sum3A [0] : vector<32x512xf32> to vector<512xf32>
      %get3A_71 = arith.constant 0 : index
      %get3A_72 = arith.constant 0 : index
      %get3A_73 = vector.load %arg9[%get3A_71, %get3A_72] : memref<512x128xf32, #tpu.memory_space<vmem>>, vector<512x128xf32>
      %broadcast_in_dim3A_74 = vector.shape_cast %reduce_sum3A_70 : vector<512xf32> to vector<512x1xf32>
      %add3A_75 = arith.constant 1.000000e-16 : f32
      %add3A_76 = vector.broadcast %add3A_75 : f32 to vector<512x1xf32>
      %add3A_77 = arith.addf %broadcast_in_dim3A_74, %add3A_76 : vector<512x1xf32>
      %div3A = vector.broadcast %add3A_77 : vector<512x1xf32> to vector<512x128xf32>
      %div3A_78 = arith.divf %get3A_73, %div3A : vector<512x128xf32>
      %swap3A = arith.constant 0 : index
      %swap3A_79 = arith.constant 0 : index
      %swap3A_80 = vector.load %arg9[%swap3A, %swap3A_79] : memref<512x128xf32, #tpu.memory_space<vmem>>, vector<512x128xf32>
      tpu.vector_store %arg9[%swap3A, %swap3A_79], %div3A_78 {strides = array<i32>} : memref<512x128xf32, #tpu.memory_space<vmem>>, vector<512x128xf32>,
    } else {
    }
    return
  }
  func.func @transform_0(%arg0: i32) -> (i32, i32) {
    %c0_i32 = arith.constant 0 : i32
    %c0_i32_0 = arith.constant 0 : i32
    return %arg0, %c0_i32 : i32, i32
  }
  func.func @transform_1(%arg0: i32) -> (i32, i32, i32) {
    %c0_i32 = arith.constant 0 : i32
    %c0_i32_0 = arith.constant 0 : i32
    %c0_i32_1 = arith.constant 0 : i32
    return %arg0, %c0_i32, %c0_i32_0 : i32, i32, i32
  }
  func.func @transform_2(%arg0: i32) -> (i32, i32, i32) {
    %c0_i32 = arith.constant 0 : i32
    %c0_i32_0 = arith.constant 0 : i32
    %c0_i32_1 = arith.constant 0 : i32
    return %arg0, %c0_i32, %c0_i32_0 : i32, i32, i32
  }
  func.func @transform_3(%arg0: i32) -> i32 {
    %c0_i32 = arith.constant 0 : i32
    %c0_i32_0 = arith.constant 0 : i32
    return %c0_i32 : i32
  }
  func.func @transform_4(%arg0: i32) -> i32 {
    %c0_i32 = arith.constant 0 : i32
    %c0_i32_0 = arith.constant 0 : i32
    return %c0_i32 : i32
  }
  func.func @transform_5(%arg0: i32) -> (i32, i32) {
    %c0_i32 = arith.constant 0 : i32
    %c0_i32_0 = arith.constant 0 : i32
    %c0_i32_1 = arith.constant 0 : i32
    return %c0_i32, %c0_i32_0 : i32, i32
  }
  func.func @transform_6(%arg0: i32) -> (i32, i32) {
    %c0_i32 = arith.constant 0 : i32
    %c0_i32_0 = arith.constant 0 : i32
    %c0_i32_1 = arith.constant 0 : i32
    return %c0_i32, %c0_i32_0 : i32, i32
  }
  func.func @transform_7(%arg0: i32) -> (i32, i32) {
    %c0_i32 = arith.constant 0 : i32
    %c0_i32_0 = arith.constant 0 : i32
    %c0_i32_1 = arith.constant 0 : i32
    return %c0_i32, %c0_i32_0 : i32, i32
  }
  func.func @transform_8(%arg0: i32) -> (i32, i32) {
    %c0_i32 = arith.constant 0 : i32
    %c0_i32_0 = arith.constant 0 : i32
    %c0_i32_1 = arith.constant 0 : i32
    return %c0_i32, %c0_i32_0 : i32, i32
  }
}

</mosaic_0001>

<sc_bundles>
// kernel: kernel.5.cloned.1.call-start
scs
__scs_entry_jumppad:
0x0: {  	(pc) =	sbr.rel $0x88, $3  }
0x1: {  	(tag) =	ssettag $0x0;
	lr =	simm.s32 $0x1  }
0x2: {  	[smem:$0x3F99] =	sst lr;
	_ =	strace $0xD0000000  }
0x3: {  	_ = 	snop  }
0x4: {  	_ = 	snop  }
0x5: {  	_ = 	snop  }
0x6: {  	_ = 	snop  }
0x7: {  	_ = 	snop  }
__scs_overlays_trampoline_lowered:
0x8: {  	[smem:$0x3FA8] =	sst s0  }
0x9: {  	[smem:$0x3FA9] =	sst s1  }
0xa: {  	[smem:$0x3FAA] =	sst s2  }
0xb: {  	[smem:$0x3FAB] =	sst s3  }
0xc: {  	[smem:$0x3FAC] =	sst s4  }
0xd: {  	[smem:$0x3FAD] =	sst s5  }
0xe: {  	[smem:$0x3FAE] =	sst s6  }
0xf: {  	[smem:$0x3FAF] =	sst s7  }
0x10: {  	[smem:$0x3FB0] =	sst s8  }
0x11: {  	[smem:$0x3FB1] =	sst s9;
	s0 =	simm.s32 @!p0 $0x0  }
0x12: {  	s1 =	sld [smem:$0x3F97];
	s0 =	simm.s32 @p0 $0x1  }
0x13: {  	[smem:$0x3FB2] =	sst s0;
	s0 =	simm.s32 @!p1 $0x0  }
0x14: {  	s2 =	sld [smem:$0x3F96];
	s0 =	simm.s32 @p1 $0x1  }
0x15: {  	[smem:$0x3FB3] =	sst s0;
	s0 =	simm.s32 @!p2 $0x0  }
0x16: {  	s3 =	sld [smem:$0x3FDB];
	s0 =	simm.s32 @p2 $0x1  }
0x17: {  	s4 =	simm.s32 $0x1BF5;
	[smem:$0x3FB5] =	sst s0  }
0x18: {  	s0 =	sld [smem:$0x3F98];
	_ =	swait.ge [sflag:s4], $0x0  }
0x19: {  	s7 =	sld [smem:$0x3F99]  }
0x1a: {  	s8 =	sadd.s32 $0xFFFFE003, lr  }
0x1b: {  	s9 =	sadd.s32 $0xFFFFFEF7, lr;
	s5 =	simm.s32 $0xFFFFFFFF;
	p2 =	slt.u32 s8, $0xFFFFF086  }
0x1c: {  	p1 =	slt.u32 s9, $0xF7A;
	s5 =	simm.s32 @!p2 $0x0  }
0x1d: {  	s5 =	simm.s32 @p1 $0x1;
	p0 =	seq.s32 s7, s2  }
0x1e: {  	s7 =	smul.u32 @!p0 $0xF7A, s2;
	p2 =	seq.s32 @!p0 s5, $0x0  }
0x1f: {  	s9 =	smul.u32 $0xF7A, s1;
	s8 =	simm.s32 @!p0 $0x1BF5;
	p2 =	por !p2, p0  }
0x20: {  	[sflag:s8] =	ssyncset.s32 @!p0 $0xFFFFF086;
	s6 =	sadd.s32 @!p0 s3, s7;
	s7 =	simm.s32 @!p0 $0x108  }
0x21: {  	s3 =	sadd.s32 s3, s9;
	s6 =	sadd.s32 @!p0 $0x88, s6;
	s7 =	simm.s32 @p2 $0x1082  }
0x22: {  	[simem:s7], [sflag:s8] =	dma.local @!p0 [hbm:s6], $0xF7A  }
0x23: {  	s9 =	sor.u32 $0xD0000000, s2;
	s6 =	simm.s32 $0x108;
	_ =	swait.ge @!p0 [sflag:s8], $0x0  }
0x24: {  	s3 =	sadd.s32 $0x88, s3;
	s6 =	simm.s32 @!p1 $0x1082;
	[sflag:s4] =	ssyncset.s32 $0xFFFFF086  }
0x25: {  	[simem:s6], [sflag:s4] =	dma.local [hbm:s3], $0xF7A  }
0x26: {  	[smem:$0x3F99] =	sst s1;
	(tag) =	ssettag s2;
	_ =	strace s9  }
0x27: {  	s1 =	sld [smem:$0x3FA9]  }
0x28: {  	s2 =	sld [smem:$0x3FAA]  }
0x29: {  	s4 =	sld [smem:$0x3FAC]  }
0x2a: {  	p0 =	seq.s32 s5, $0x0;
	s5 =	sld [smem:$0x3FAD]  }
0x2b: {  	s6 =	sld [smem:$0x3FAE]  }
0x2c: {  	s7 =	sld [smem:$0x3FAF]  }
0x2d: {  	s3 =	simm.s32 $0x108;
	s8 =	sld [smem:$0x3FB0]  }
0x2e: {  	s3 =	simm.s32 @!p0 $0x1082;
	s9 =	sld [smem:$0x3FB1]  }
0x2f: {  	lr =	sadd.s32 s0, s3;
	s0 =	sld [smem:$0x3FA8]  }
0x30: {  	s3 =	sld [smem:$0x3FAB]  }
0x31: {  	[smem:$0x3FB4] =	sst s10  }
0x32: {  	s10 =	sld [smem:$0x3FB2];
	_ =	sdelay $0x3  }
0x33: {  	p0 =	seq.s32 s10, $0x1;
	s10 =	sld [smem:$0x3FB4];
	_ =	sdelay $0x3  }
0x34: {  	[smem:$0x3FB4] =	sst s10  }
0x35: {  	s10 =	sld [smem:$0x3FB3];
	_ =	sdelay $0x3  }
0x36: {  	p1 =	seq.s32 s10, $0x1;
	s10 =	sld [smem:$0x3FB4];
	_ =	sdelay $0x3  }
0x37: {  	[smem:$0x3FB4] =	sst s10  }
0x38: {  	s10 =	sld [smem:$0x3FB5]  }
0x39: {  	_ = 	snop;
	(pc) =	sbr.ind lr, $3  }
0x3a: {  	_ = 	snop  }
0x3b: {  	_ = 	snop  }
0x3c: {  	p2 =	seq.s32 s10, $0x1;
	s10 =	sld [smem:$0x3FB4]  }
0x3d: {  	_ =	shalt  }
0x3e: {  	_ =	shalt  }
0x3f: {  	_ =	shalt  }
0x40: {  	_ =	shalt  }
0x41: {  	_ =	shalt  }
0x42: {  	_ =	shalt  }
0x43: {  	_ =	shalt  }
0x44: {  	_ =	shalt  }
0x45: {  	_ =	shalt  }
0x46: {  	_ =	shalt  }
0x47: {  	_ =	shalt  }
0x48: {  	_ =	shalt  }
0x49: {  	_ =	shalt  }
0x4a: {  	_ =	shalt  }
0x4b: {  	_ =	shalt  }
0x4c: {  	_ =	shalt  }
0x4d: {  	_ =	shalt  }
0x4e: {  	_ =	shalt  }
0x4f: {  	_ =	shalt  }
0x50: {  	_ =	shalt  }
0x51: {  	_ =	shalt  }
0x52: {  	_ =	shalt  }
0x53: {  	_ =	shalt  }
0x54: {  	_ =	shalt  }
0x55: {  	_ =	shalt  }
0x56: {  	_ =	shalt  }
0x57: {  	_ =	shalt  }
0x58: {  	_ =	shalt  }
0x59: {  	_ =	shalt  }
0x5a: {  	_ =	shalt  }
0x5b: {  	_ =	shalt  }
0x5c: {  	_ =	shalt  }
0x5d: {  	_ =	shalt  }
0x5e: {  	_ =	shalt  }
0x5f: {  	_ =	shalt  }
0x60: {  	_ =	shalt  }
0x61: {  	_ =	shalt  }
0x62: {  	_ =	shalt  }
0x63: {  	_ =	shalt  }
0x64: {  	_ =	shalt  }
0x65: {  	_ =	shalt  }
0x66: {  	_ =	shalt  }
0x67: {  	_ =	shalt  }
0x68: {  	_ =	shalt  }
0x69: {  	_ =	shalt  }
0x6a: {  	_ =	shalt  }
0x6b: {  	_ =	shalt  }
0x6c: {  	_ =	shalt  }
0x6d: {  	_ =	shalt  }
0x6e: {  	_ =	shalt  }
0x6f: {  	_ =	shalt  }
0x70: {  	_ =	shalt  }
0x71: {  	_ =	shalt  }
0x72: {  	_ =	shalt  }
0x73: {  	_ =	shalt  }
0x74: {  	_ =	shalt  }
0x75: {  	_ =	shalt  }
0x76: {  	_ =	shalt  }
0x77: {  	_ =	shalt  }
0x78: {  	_ =	shalt  }
0x79: {  	_ =	shalt  }
0x7a: {  	_ =	shalt  }
0x7b: {  	_ =	shalt  }
0x7c: {  	_ =	shalt  }
0x7d: {  	_ =	shalt  }
0x7e: {  	_ =	shalt  }
0x7f: {  	_ =	shalt  }
0x80: {  	_ =	shalt  }
0x81: {  	_ =	shalt  }
0x82: {  	_ =	shalt  }
0x83: {  	_ =	shalt  }
0x84: {  	_ =	shalt  }
0x85: {  	_ =	shalt  }
0x86: {  	_ =	shalt  }
0x87: {  	_ =	shalt  }
.Lfunc_end0:
.L_simem_size_0:
called_computation_lowered:
.L_overlay_start_0:
0x88: {  	s2 =	sld [smem:$0x3FD9]  }
0x89: {  	s3 =	sld [smem:$0x3FFE];
	_ =	sdelay $0x1  }
0x8a: {  	s1 =	srdreg.scid  }
0x8b: {  	s0 =	sand.u32 $0x1, s1  }
0x8c: {  	s17 =	sshll.u32 s0, $0xA;
	s2 =	sadd.s32 s3, s2  }
0x8d: {  	s2 =	sadd.s32 s2, s17  }
0x8e: {  	[smem:$0x3FC0] =	sst s2  }
0x8f: {  	_ = 	snop  }
0x90: {  	s2 =	sld [smem:$0x3FD0];
	(tm) =	ssettm $0x1  }
0x91: {  	s18 =	sld [smem:$0x3FFB];
	_ =	sdelay $0x3  }
0x92: {  	_ =	strace s18  }
0x93: {  	s3 =	sld [smem:$0x3FFC];
	_ =	sdelay $0x3  }
0x94: {  	_ =	strace s3  }
0x95: {  	s3 =	sld [smem:$0x3FFD];
	_ =	sdelay $0x3  }
0x96: {  	_ =	strace s3  }
0x97: {  	_ =	strace $0x8FFFFFFF  }
0x98: {  	s19 =	sld [smem:$0x3FDB];
	_ =	sdelay $0x1  }
0x99: {  	s4 =	simm.s32 $_scs_section_size  }
0x9a: {  	s5 =	simm.s32 $_size__tile_overlayer_lowered;
	s6 =	simm.s32 $_tile_overlayer_lowered  }
0x9b: {  	s22 =	simm.s32 $0x1BFF;
	s21 =	sshll.u32 s6, $0x1;
	s3 =	sadd.s32 s4, s19  }
0x9c: {  	s7 =	simm.s32 $0x0;
	s20 =	sshll.u32 s5, $0x1;
	s5 =	sadd.s32 s21, s3  }
0x9d: {  	[timem:s7], [sflag:s22] =	dma.local [hbm:s5], s20  }
0x9e: {  	_ =	swait.ge [sflag:s22], s20  }
0x9f: {  	s4 =	ssub.s32 $0x0, s20;
	[sflag:s22] =	ssyncset.done $0x0  }
0xa0: {  	[sflag:s22] =	ssyncadd.s32 s4;
	_ =	sdelay $0x1  }
0xa1: {  	s23 =	simm.s32 $0x1B8B  }
0xa2: {  	_ =	swait.ge [sflag:s23], $0x1  }
0xa3: {  	[sflag:s23] =	ssyncset.done $0x0  }
0xa4: {  	s25 =	simm.s32 $0x1B8E;
	s24 =	sld [smem:$0x3FFE];
	[sflag:s23] =	ssyncadd.s32 $0xFFFFFFFF  }
0xa5: {  	s26 =	simm.s32 $execute0_lowered;
	[smem:$0x3FD2] =	sst s25  }
0xa6: {  	s5 =	sshll.u32 s26, $0x1;
	_ =	strace $0x80000046;
	[dreg:$0x1] =	wrdreg $0xFFFFFFFF  }
0xa7: {  	s28 =	simm.s32 $_size_execute0_lowered;
	s3 =	sadd.s32 s3, s5;
	[dreg:$0x0] =	wrdreg $0x0  }
0xa8: {  	s5 =	sshll.u32 s28, $0x1;
	[dreg:$0x2] =	wrdreg s3  }
0xa9: {  	[dreg:$0x3] =	wrdreg s5  }
0xaa: {  	[dreg:$0x4] =	wrdreg $0xC0  }
0xab: {  	_ =	task [dreg:s7], $0x5FFFF  }
0xac: {  	[dreg:$0x1] =	wrdreg $0xFFFFFFFF  }
0xad: {  	[dreg:$0x0] =	wrdreg $0x60  }
0xae: {  	[dreg:$0x2] =	wrdreg s24  }
0xaf: {  	[dreg:$0x3] =	wrdreg s2  }
0xb0: {  	[dreg:$0x4] =	wrdreg $0x9  }
0xb1: {  	_ =	task.clear_ibuf [dreg:s7], $0x5FFFF;
	_ =	strace $0x90000046  }
0xb2: {  	s29 =	simm.s32 $0x9;
	_ =	strace $0x80000048  }
0xb3: {  	_ =	swait.ge [sflag:s29], $0x1  }
0xb4: {  	[sflag:s29] =	ssyncadd.s32 $0xFFFFFFFF  }
0xb5: {  	_ =	strace $0x90000048  }
0xb6: {  	_ =	sfence  }
0xb7: {  	s30 =	sld [smem:$0x0];
	_ =	sdelay $0x2  }
0xb8: {  	s31 =	sshll.u32 s1, $0xD;
	s1 =	sshrl.u32 s1, $0x2  }
0xb9: {  	s3 =	sand.u32 $0x4000, s31;
	s1 =	sadd.s32 s1, s30  }
0xba: {  	s0 =	sor.u32 s3, s0;
	s1 =	sshll.u32 s1, $0x11  }
0xbb: {  	s0 =	sor.u32 s1, s0  }
0xbc: {  	s0 =	sadd.s32 $0x8F2B, s0  }
0xbd: {  	[sflag:s0] =	ssyncadd.remote.s32 $0x1  }
0xbe: {  	_ =	sfence.sel $0xFFFF  }
0xbf: {  	[dreg:$0x0] =	wrdreg $0xFFFFFFFF;
	(pc) =	sbr.abs _section_cstart, $3  }
0xc0: {  	[dreg:$0x1] =	wrdreg $0xFFFFFFFF  }
0xc1: {  	_ =	task.clear_ibuf [dreg:s7], $0x2FFFF;
	_ =	strace $0x9FFFFFFF  }
0xc2: {  	(tm) =	ssettm $0x7FFFFFFF  }
0xc3: {  	_ =	shalt  }
tec
execute0_lowered:
.L_overlay_start_1:
0x0: {  	(tag) =	ssettag $0x1  }
0x1: {  	s4 =	rddreg [dreg:$0x0];
	s1 =	srdreg.scid  }
0x2: {  	s0 =	stileid.u32;
	s5 =	rddreg [dreg:$0x1];
	s2 =	simm.s32 $0x0  }
0x3: {  	s11 =	simm.s32 $0x1;
	s12 =	simm.s32 $0x2;
	s13 =	simm.s32 $0x3  }
0x4: {  	s14 =	simm.s32 $0x2700;
	s15 =	simm.s32 $0x1A00;
	s16 =	simm.s32 $0x4  }
0x5: {  	s17 =	simm.s32 $0x80;
	s18 =	simm.s32 $0x400;
	s19 =	simm.s32 $0x0  }
0x6: {  	s6 =	sand.u32 $0x1, s1;
	s3 =	sshll.u32 s0, $0x1;
	s1 =	rddreg [dreg:$0x2]  }
0x7: {  	[smem:$0x7FF] =	sst s2;
	s9 =	sshll.u32 s0, $0x7;
	s7 =	sor.u32 s6, s3  }
0x8: {  	_ =	strace $0x80000047;
	s3 =	sadd.s32 $0x1A4000, s4;
	s6 =	ssub.s32 $0x2, s6  }
0x9: {  	s31 =	sand.u32 $0x600, s9;
	s8 =	smul.u32 $0x1A0, s7;
	s7 =	sshll.u32 s7, $0x4  }
0xa: {  	s30 =	sshrl.u32 s6, $0x1;
	s9 =	sadd.s32 s5, s31;
	s7 =	sand.u32 $0x70, s7  }
0xb: {  	s10 =	ssub.s32 s6, s30;
	s8 =	sadd.s32 s8, s4;
	s7 =	sadd.s32 s7, s9  }
0xc: {  	s9 =	simm.s32 $0xD00;
	s4 =	sadd.s32 $0x1A4200, s8;
	s5 =	sadd.s32 $0xC00, s8  }
0xd: {  	v0 =	vimm.f32 $0.0e+00;
	s6 =	sadd.s32 $0x4000, s8;
	s8 =	smax.u32 s10, $0x1;
	s10 =	simm.s32 $0x2900  }
.LBB2_1:
0xe: {  	[tilespmem:s2], [sflag:$0x1] =	stream.linear.gather [hbm4b:s4+s2], $0xD00, $0x38;
	[tilespmem:$0x2980] =	vst v63  }
0xf: {  	_ = 	snop  }
0x10: {  	[tilespmem:s9], [sflag:$0x2] =	stream.linear.gather [hbm4b:s5+s2], $0xD00, $0x38;
	[tilespmem:$0x2980] =	vst v63  }
0x11: {  	_ = 	snop  }
0x12: {  	[tilespmem:s10], [sflag:$0x3] =	stream.linear.gather [hbm4b:s3+s2], $0x10, $0x38;
	[tilespmem:$0x2980] =	vst v63  }
0x13: {  	[tilespmem:$0x2700] =	vst v0  }
0x14: {  	[tilespmem:$0x2710] =	vst v0  }
0x15: {  	[tilespmem:$0x2720] =	vst v0  }
0x16: {  	[tilespmem:$0x2730] =	vst v0  }
0x17: {  	[tilespmem:$0x2740] =	vst v0  }
0x18: {  	[tilespmem:$0x2750] =	vst v0  }
0x19: {  	[tilespmem:$0x2760] =	vst v0  }
0x1a: {  	[tilespmem:$0x2770] =	vst v0  }
0x1b: {  	[tilespmem:$0x2780] =	vst v0  }
0x1c: {  	[tilespmem:$0x2790] =	vst v0  }
0x1d: {  	[tilespmem:$0x27A0] =	vst v0  }
0x1e: {  	[tilespmem:$0x27B0] =	vst v0  }
0x1f: {  	[tilespmem:$0x27C0] =	vst v0  }
0x20: {  	[tilespmem:$0x27D0] =	vst v0  }
0x21: {  	[tilespmem:$0x27E0] =	vst v0  }
0x22: {  	[tilespmem:$0x27F0] =	vst v0  }
0x23: {  	[tilespmem:$0x2800] =	vst v0  }
0x24: {  	[tilespmem:$0x2810] =	vst v0  }
0x25: {  	[tilespmem:$0x2820] =	vst v0  }
0x26: {  	[tilespmem:$0x2830] =	vst v0  }
0x27: {  	[tilespmem:$0x2840] =	vst v0  }
0x28: {  	[tilespmem:$0x2850] =	vst v0  }
0x29: {  	[tilespmem:$0x2860] =	vst v0  }
0x2a: {  	[tilespmem:$0x2870] =	vst v0  }
0x2b: {  	[tilespmem:$0x2880] =	vst v0  }
0x2c: {  	[tilespmem:$0x2890] =	vst v0  }
0x2d: {  	[tilespmem:$0x28A0] =	vst v0  }
0x2e: {  	[tilespmem:$0x28B0] =	vst v0  }
0x2f: {  	[tilespmem:$0x28C0] =	vst v0  }
0x30: {  	[tilespmem:$0x28D0] =	vst v0  }
0x31: {  	[tilespmem:$0x28E0] =	vst v0  }
0x32: {  	[tilespmem:$0x28F0] =	vst v0  }
0x33: {  	_ =	swait.ge [sflag:s11], $0xD00  }
0x34: {  	[sflag:s11] =	ssyncset.done $0x0  }
0x35: {  	[sflag:s11] =	ssyncadd.s32 $0xFFFFF300  }
0x36: {  	_ =	swait.ge [sflag:s12], $0xD00  }
0x37: {  	[sflag:s12] =	ssyncset.done $0x0  }
0x38: {  	[sflag:s12] =	ssyncadd.s32 $0xFFFFF300  }
0x39: {  	_ =	swait.ge [sflag:s13], $0x10  }
0x3a: {  	[sflag:s13] =	ssyncset.done $0x0  }
0x3b: {  	[sflag:s13] =	ssyncadd.s32 $0xFFFFFFF0  }
0x3c: {  	s20 =	simm.s32 $0x0;
	v1 =	vld [tilespmem:$0x2900]  }
0x3d: {  	s21 =	simm.s32 $0x40;
	v2 =	vld [tilespmem:s20+$0x0]  }
.LBB2_2:
0x3e: {  	p0 =	sne.s32 s21, $0x33C0;
	_ =	sdelay $0x3  }
0x3f: {  	v2 =	vsub.f32 v2, v1;
	_ =	sdelay $0x1  }
0x40: {  	v2 =	vmul.f32 $1.442695020e+00, v2;
	_ =	sdelay $0x1  }
0x41: {  	(erf) = vpow2.f32 v2;
	_ =	sdelay $0x2  }
0x42: {  	v2 =	vld [tilespmem:s20+$0xD00];
	_ =	sdelay $0x4  }
.Ltmp0:
0x43: {  	(pc) =	sbr.rel @p0 .LBB2_2-.Ltmp0, $4  }
0x44: {  	v3 =	vpop (erf)  }
0x45: {  	[tilespmem:s20+$0x1A00] =	vst v3  }
0x46: {  	s20 =	sshra.s32 s21, $0x2;
	[tilespmem:v2+s14+$0x0] =	vst.idx.add.f32.msk $0xffff, v3  }
0x47: {  	s21 =	sadd.s32 $0x40, s21;
	v2 =	vld [tilespmem:s20+$0x0]  }
0x48: {  	_ =	sdelay $0x3  }
0x49: {  	v1 =	vsub.f32 v2, v1;
	_ =	sdelay $0x1  }
0x4a: {  	v1 =	vmul.f32 $1.442695020e+00, v1;
	_ =	sdelay $0x1  }
0x4b: {  	(erf) = vpow2.f32 v1;
	_ =	sdelay $0x2  }
0x4c: {  	v1 =	vld [tilespmem:s20+$0xD00];
	_ =	sdelay $0x5  }
0x4d: {  	v2 =	vpop (erf)  }
0x4e: {  	[tilespmem:s20+$0x1A00] =	vst v2  }
0x4f: {  	[tilespmem:v1+s14+$0x0] =	vst.idx.add.f32.msk $0xffff, v2  }
0x50: {  	[hbm4b:s6+s2] =	stream.linear.scatter [tilespmem:s15], [sflag:$0x4], $0xD00, $0x38;
	[tilespmem:$0x2980] =	vst v63  }
0x51: {  	s19 =	sadd.s32 $0x1, s19;
	_ =	swait.ge [sflag:s16], $0xD00  }
0x52: {  	p0 =	sne.s32 s19, s8;
	[sflag:s16] =	ssyncset.done $0x0  }
.Ltmp1:
0x53: {  	[sflag:s16] =	ssyncadd.s32 $0xFFFFF300;
	(pc) =	sbr.rel @p0 .LBB2_1-.Ltmp1, $4  }
0x54: {  	[hbm4b:s7+s17] =	stream.strided.scatter [tilespmem:s14], [sflag:$0x4], $0x200, s18, s17, $0x38;
	[tilespmem:$0x2980] =	vst v63  }
0x55: {  	_ =	swait.ge [sflag:s16], $0x200  }
0x56: {  	[sflag:s16] =	ssyncset.done $0x0  }
0x57: {  	[sflag:s16] =	ssyncadd.s32 $0xFFFFFE00  }
0x58: {  	_ =	sfence.sel $0x180000  }
0x59: {  	[bflag:$0x0] =	sbarrier.arrive $0xFFFF  }
0x5a: {  	p0 =	sne.s32 s0, $0x0;
	_ =	strace $0x90000047  }
0x5b: {  	s0 =	sadd.s32 @!p0 $0x100000, s1;
	[bflag:$0x2] =	sbarrier.arrive $0xFFFF  }
0x5c: {  	[sflag:s0] =	ssyncadd.tile.s32 @!p0 $0x1;
	_ =	shalt  }
.Lfunc_end2:
_tile_overlayer_lowered:
.L_overlay_start_2:
0x5d: {  	(tag) =	ssettag $0x2  }
0x5e: {  	s0 =	rddreg [dreg:$0x0];
	s2 =	stileid.u32  }
0x5f: {  	s1 =	rddreg [dreg:$0x1];
	p0 =	sne.s32 s2, $0x0  }
0x60: {  	s3 =	rddreg [dreg:$0x2];
	[bflag:$0x3] =	sbarrier.arrive $0xFFFF;
	s2 =	simm.s32 @!p0 $0x1C04  }
0x61: {  	[timem:s3], [sflag:s2] =	dma.local @!p0 [hbm:s0], s1  }
0x62: {  	s0 =	simm.s32 @!p0 $0x4  }
0x63: {  	_ =	swait.ge @!p0 [sflag:s0], s1  }
0x64: {  	s1 =	ssub.s32 @!p0 $0x0, s1;
	[sflag:s0] =	ssyncset.done @!p0 $0x0  }
0x65: {  	[sflag:s0] =	ssyncadd.s32 @!p0 s1  }
0x66: {  	[bflag:$0x3] =	sbarrier.arrive $0xFFFF  }
0x67: {  	_ =	shalt  }

</sc_bundles>
